<compile_context>
chip_gen: v7x
topology: tpu7x:2x2x1
jax: 0.10.2.dev20260603
libtpu: 0.0.44.dev20260713+nightly
codegen_flags: <defaults>
</compile_context>

<pallas_src>
import functools

import jax
import jax.numpy as jnp
from jax import lax
from jax.experimental import pallas as pl
from jax.experimental.pallas import tpu as pltpu
from jax.experimental.pallas import tpu_sc as plsc

N_NODES = 10000
D = 128
NC = 2
NS = 16
CHUNK = 128
N_PAD = 10240
HALF = N_PAD // NC
ACC_ROWS = HALF + 8
TRASH = HALF
ROWS_PER_TILE = HALF // NS
PAD_IDX = N_PAD - 1
NBUF = 2
BLK = 256
N_BLOCKS = N_PAD // BLK



def _sc_agg_body(nchunk, table, srcs, dsts, zinit, out,
                 src_v, dst_v, rows, gsems, ssems, acc):
    c = lax.axis_index("c")
    s = lax.axis_index("s")
    r0 = s * ROWS_PER_TILE
    pltpu.sync_copy(zinit, acc.at[pl.ds(r0, ROWS_PER_TILE)])
    pltpu.sync_copy(srcs.at[s], src_v)
    pltpu.sync_copy(dsts.at[c, s], dst_v)
    plsc.subcore_barrier()

    for b in range(NBUF):
        pltpu.async_copy(table.at[src_v.at[b]], rows.at[b], gsems.at[b])

    def body(j, carry):
        for b in range(NBUF):
            idx = NBUF * j + b
            pltpu.make_async_copy(table.at[src_v.at[idx]], rows.at[b],
                                  gsems.at[b]).wait()
            pltpu.async_copy(rows.at[b], acc.at[dst_v.at[idx]], ssems.at[b],
                             add=True)
            pltpu.make_async_copy(rows.at[b], acc.at[dst_v.at[idx]],
                                  ssems.at[b]).wait()
            pltpu.async_copy(table.at[src_v.at[idx + NBUF]], rows.at[b],
                             gsems.at[b])
        return carry

    def tail(j, carry):
        for b in range(NBUF):
            idx = NBUF * j + b
            pltpu.make_async_copy(table.at[src_v.at[idx]], rows.at[b],
                                  gsems.at[b]).wait()
            pltpu.sync_copy(rows.at[b], acc.at[dst_v.at[idx]], add=True)
        return carry

    ngroups = nchunk // NBUF
    lax.fori_loop(0, ngroups - 1, body, 0)
    tail(ngroups - 1, 0)
    plsc.subcore_barrier()
    pltpu.sync_copy(acc.at[pl.ds(r0, ROWS_PER_TILE)],
                    out.at[c, pl.ds(r0, ROWS_PER_TILE)])


def _sc_aggregate(table, srcs, dsts, zinit, d, nchunk):
    mesh = plsc.VectorSubcoreMesh(core_axis_name="c", subcore_axis_name="s",
                                  num_cores=NC, num_subcores=NS)
    kern = pl.kernel(
        functools.partial(_sc_agg_body, nchunk),
        out_type=jax.ShapeDtypeStruct((NC, HALF, d), jnp.float32),
        mesh=mesh,
        scratch_types=[
            pltpu.VMEM((nchunk, CHUNK), jnp.int32),
            pltpu.VMEM((nchunk, CHUNK), jnp.int32),
            pltpu.VMEM((NBUF, CHUNK, d), jnp.float32),
            pltpu.SemaphoreType.DMA((NBUF,)),
            pltpu.SemaphoreType.DMA((NBUF,)),
            pltpu.VMEM_SHARED((ACC_ROWS, d), jnp.float32),
        ],
        compiler_params=pltpu.CompilerParams(use_tc_tiling_on_sc=False),
        name=f"gcn_sc_agg_d{d}",
    )
    return kern(table, srcs, dsts, zinit)



def _tc_first_body(x_ref, w_ref, degp_ref, hs_ref, dinv_ref):
    i = pl.program_id(0)
    deg = jnp.sum(degp_ref[...], axis=1) + 1.0
    row = i * BLK + lax.broadcasted_iota(jnp.int32, (BLK,), 0)
    dinv = jnp.where(row < N_NODES, lax.rsqrt(deg), 0.0)
    dinv_b = jnp.broadcast_to(dinv[:, None], (BLK, D))
    dinv_ref[...] = dinv_b
    h = jnp.dot(x_ref[...], w_ref[...], preferred_element_type=jnp.float32)
    hs_ref[...] = h * dinv_b


def _tc_first(x_pad, w1, degs):
    return pl.pallas_call(
        _tc_first_body,
        grid=(N_BLOCKS,),
        in_specs=[
            pl.BlockSpec((BLK, D), lambda i: (i, 0)),
            pl.BlockSpec((D, D), lambda i: (0, 0)),
            pl.BlockSpec((BLK, 16), lambda i: (i, 0)),
        ],
        out_specs=[
            pl.BlockSpec((BLK, D), lambda i: (i, 0)),
            pl.BlockSpec((BLK, D), lambda i: (i, 0)),
        ],
        out_shape=[
            jax.ShapeDtypeStruct((N_PAD, D), jnp.float32),
            jax.ShapeDtypeStruct((N_PAD, D), jnp.float32),
        ],
        name="gcn_tc_first",
    )(x_pad, w1, degs)


def _tc_mid_body(agg_ref, hs_ref, dinv_ref, b_ref, w_ref, pre_ref, o_ref):
    tot = agg_ref[...] + hs_ref[...]
    pre = tot * dinv_ref[...] + b_ref[...]
    pre_ref[...] = pre
    act = jnp.maximum(pre, 0.0)
    o_ref[...] = jnp.dot(act, w_ref[...],
                         preferred_element_type=jnp.float32) * dinv_ref[...]


def _tc_mid(agg, hs, dinv_b, b, w_next):
    return pl.pallas_call(
        _tc_mid_body,
        grid=(N_BLOCKS,),
        in_specs=[
            pl.BlockSpec((BLK, D), lambda i: (i, 0)),
            pl.BlockSpec((BLK, D), lambda i: (i, 0)),
            pl.BlockSpec((BLK, D), lambda i: (i, 0)),
            pl.BlockSpec((1, D), lambda i: (0, 0)),
            pl.BlockSpec((D, D), lambda i: (0, 0)),
        ],
        out_specs=[
            pl.BlockSpec((BLK, D), lambda i: (i, 0)),
            pl.BlockSpec((BLK, D), lambda i: (i, 0)),
        ],
        out_shape=[
            jax.ShapeDtypeStruct((N_PAD, D), jnp.float32),
            jax.ShapeDtypeStruct((N_PAD, D), jnp.float32),
        ],
        name="gcn_tc_mid",
    )(agg, hs, dinv_b, b.reshape(1, D), w_next)



def kernel(x, edge_index, W1, b1, W2, b2, W3, b3):
    e = edge_index.shape[1]
    nchunk = -(-e // (NS * CHUNK))
    nchunk = -(-nchunk // NBUF) * NBUF
    e_pad = NS * nchunk * CHUNK
    src = edge_index[0].astype(jnp.int32)
    dst = edge_index[1].astype(jnp.int32)
    fill = jnp.full((e_pad - e,), PAD_IDX, jnp.int32)
    src = jnp.concatenate([src, fill])
    dst = jnp.concatenate([dst, fill])
    srcs = src.reshape(NS, nchunk, CHUNK)
    dst_loc = dst[None, :] - jnp.array([0, HALF], jnp.int32)[:, None]
    dsts = jnp.where((dst_loc >= 0) & (dst_loc < HALF), dst_loc, TRASH)
    dsts = dsts.reshape(NC, NS, nchunk, CHUNK)

    x_pad = jnp.pad(x, ((0, N_PAD - N_NODES), (0, 0)))
    e0_table = jnp.zeros((N_PAD, 16), jnp.float32).at[:N_NODES, 0].set(1.0)
    z16 = jnp.zeros((ROWS_PER_TILE, 16), jnp.float32)
    z128 = jnp.zeros((ROWS_PER_TILE, D), jnp.float32)

    degs = _sc_aggregate(e0_table, srcs, dsts, z16, 16, nchunk)
    hs1, dinv_b = _tc_first(x_pad, W1, degs.reshape(N_PAD, 16))

    def step(hs, wb):
        w_next, b = wb
        agg = _sc_aggregate(hs, srcs, dsts, z128, D, nchunk)
        pre, hs_next = _tc_mid(agg.reshape(N_PAD, D), hs, dinv_b, b, w_next)
        return hs_next, pre

    ws = jnp.stack([W2, W3, jnp.zeros_like(W3)])
    bs = jnp.stack([b1, b2, b3])
    _, pres = lax.scan(step, hs1, (ws, bs))
    return pres[2][:N_NODES]

# --- scband reference (transcript-rebuilt; emitter-appended) ---
"""Pipeline reference for scband-gnn-30262339568140 (READ-ONLY COPY).

The authoritative reference and input builder live on the scoring server;
editing this copy changes nothing except your own understanding.
"""

import jax, jax.numpy as jnp
import numpy as np

N_NODES = 10000
N_EDGES = 320000
D_IN = 128
D_HID = 128
D_OUT = 128


def setup_inputs(seed: int = 0) -> dict:
    key = jax.random.key(seed)
    ks = jax.random.split(key, 8)
    x = jax.random.normal(ks[0], (N_NODES, D_IN), dtype=jnp.float32)
    edge_index = jax.random.randint(ks[1], (2, N_EDGES), 0, N_NODES, dtype=jnp.int64 if jax.config.jax_enable_x64 else jnp.int32).astype(jnp.int32)
    # Glorot-ish init for GCN layer weights, zero bias (PyG default)
    W1 = jax.random.normal(ks[2], (D_IN, D_HID), dtype=jnp.float32) * (1.0 / np.sqrt(D_IN))
    b1 = jnp.zeros((D_HID,), dtype=jnp.float32)
    W2 = jax.random.normal(ks[3], (D_HID, D_HID), dtype=jnp.float32) * (1.0 / np.sqrt(D_HID))
    b2 = jnp.zeros((D_HID,), dtype=jnp.float32)
    W3 = jax.random.normal(ks[4], (D_HID, D_OUT), dtype=jnp.float32) * (1.0 / np.sqrt(D_HID))
    b3 = jnp.zeros((D_OUT,), dtype=jnp.float32)
    return {"x": x, "edge_index": edge_index, "W1": W1, "b1": b1, "W2": W2, "b2": b2, "W3": W3, "b3": b3}


def _gcn_conv(x, edge_index, W, b):
    # Faithful PyG GCNConv: linear transform, add self-loops, symmetric deg normalization, scatter-add aggregate, bias.
    num_nodes = x.shape[0]
    loop = jnp.arange(num_nodes, dtype=edge_index.dtype)
    src = jnp.concatenate([edge_index[0], loop])
    dst = jnp.concatenate([edge_index[1], loop])
    ones = jnp.ones(src.shape[0], dtype=x.dtype)
    deg = jnp.zeros((num_nodes,), dtype=x.dtype).at[dst].add(ones)
    deg_inv_sqrt = jnp.where(deg > 0, jax.lax.rsqrt(jnp.maximum(deg, 1e-12)), 0.0)
    norm = deg_inv_sqrt[src] * deg_inv_sqrt[dst]
    h = x @ W
    msg = h[src] * norm[:, None]
    out = jnp.zeros((num_nodes, W.shape[1]), dtype=x.dtype).at[dst].add(msg)
    return out + b


def reference(x, edge_index, W1, b1, W2, b2, W3, b3):
    h = jax.nn.relu(_gcn_conv(x, edge_index, W1, b1))
    h = jax.nn.relu(_gcn_conv(h, edge_index, W2, b2))
    out = _gcn_conv(h, edge_index, W3, b3)
    return out

if __name__ == "__main__":
    import jax
    _d = setup_inputs()
    print(jax.jit(kernel)(*tuple(_d.values())))

</pallas_src>

<mosaic_0001>
#map = affine_map<(d0, d1) -> (0, 0)>
#map1 = affine_map<(d0, d1) -> (0, 0, 0)>
#map2 = affine_map<(d0, d1) -> (0, 0, 0, 0)>
module attributes {stable_mosaic.version = 14 : i64} {
  func.func @gcn_sc_agg_d128(%arg0: i32, %arg1: i32, %arg2: memref<10240x128xf32, #tpu.memory_space<hbm>>, %arg3: memref<16x158x128xi32, #tpu.memory_space<hbm>>, %arg4: memref<2x16x158x128xi32, #tpu.memory_space<hbm>>, %arg5: memref<320x128xf32, #tpu.memory_space<hbm>>, %arg6: memref<2x5120x128xf32, #tpu.memory_space<hbm>>, %arg7: memref<158x128xi32, #tpu.memory_space<vmem>>, %arg8: memref<158x128xi32, #tpu.memory_space<vmem>>, %arg9: memref<2x128x128xf32, #tpu.memory_space<vmem>>, %arg10: memref<2x!tpu.dma_semaphore, #tpu.memory_space<semaphore_mem>>, %arg11: memref<2x!tpu.dma_semaphore, #tpu.memory_space<semaphore_mem>>, %arg12: memref<5128x128xf32, #tpu.memory_space<vmem_shared>>) attributes {dimension_semantics = [#tpu.dimension_semantics<core_parallel>, #tpu.dimension_semantics<subcore_parallel>], iteration_bounds = array<i64: 2, 16>, scalar_prefetch = 0 : i64, scratch_operands = 6 : i64, tpu.core_type = #tpu.core_type<sc_vector_subcore>, window_params = [{transform_indices = #map}, {transform_indices = #map1}, {transform_indices = #map2}, {transform_indices = #map}, {transform_indices = #map1}]} {
    %mul3A = arith.constant 320 : i32
    %mul3A_0 = arith.muli %arg1, %mul3A : i32
    "tpu.region"() ({
      %run_scoped3A_68 = tpu.sem_alloc : memref<!tpu.dma_semaphore, #tpu.memory_space<semaphore_mem>>
      %dma_start3A_69 = arith.constant 0 : i32
      %dma_start3A_70 = tpu.memref_slice %arg12[%mul3A_0, %dma_start3A_69] : memref<5128x128xf32, #tpu.memory_space<vmem_shared>> -> memref<320x128xf32, #tpu.memory_space<vmem_shared>>
      tpu.enqueue_dma source(%arg5 : memref<320x128xf32, #tpu.memory_space<hbm>>) target(%dma_start3A_70 : memref<320x128xf32, #tpu.memory_space<vmem_shared>>) target_semaphore(%run_scoped3A_68 : memref<!tpu.dma_semaphore, #tpu.memory_space<semaphore_mem>>)
      %dma_wait3A_71 = arith.constant 0 : i32
      %dma_wait3A_72 = tpu.memref_slice %arg12[%mul3A_0, %dma_wait3A_71] : memref<5128x128xf32, #tpu.memory_space<vmem_shared>> -> memref<320x128xf32, #tpu.memory_space<vmem_shared>>
      tpu.wait_dma2 semaphore(%run_scoped3A_68 : memref<!tpu.dma_semaphore, #tpu.memory_space<semaphore_mem>>) src(%arg5 : memref<320x128xf32, #tpu.memory_space<hbm>>) dst(%dma_wait3A_72 : memref<320x128xf32, #tpu.memory_space<vmem_shared>>)
      tpu.yield
    }) : () -> ()
    "tpu.region"() ({
      %run_scoped3A_68 = tpu.sem_alloc : memref<!tpu.dma_semaphore, #tpu.memory_space<semaphore_mem>>
      %dma_start3A_69 = arith.constant 0 : i32
      %dma_start3A_70 = arith.constant 0 : i32
      %dma_start3A_71 = tpu.memref_slice %arg3[%arg1, %dma_start3A_69, %dma_start3A_70] : memref<16x158x128xi32, #tpu.memory_space<hbm>> -> memref<1x158x128xi32, #tpu.memory_space<hbm>>
      %dma_start3A_72 = tpu.memref_squeeze %dma_start3A_71 : memref<1x158x128xi32, #tpu.memory_space<hbm>> -> memref<158x128xi32, #tpu.memory_space<hbm>>
      %dma_start3A_73 = arith.constant 0 : i32
      %dma_start3A_74 = arith.constant 0 : i32
      %dma_start3A_75 = tpu.memref_slice %arg3[%arg1, %dma_start3A_73, %dma_start3A_74] : memref<16x158x128xi32, #tpu.memory_space<hbm>> -> memref<1x158x128xi32, #tpu.memory_space<hbm>>
      %dma_start3A_76 = tpu.memref_squeeze %dma_start3A_75 : memref<1x158x128xi32, #tpu.memory_space<hbm>> -> memref<158x128xi32, #tpu.memory_space<hbm>>
      tpu.enqueue_dma source(%dma_start3A_76 : memref<158x128xi32, #tpu.memory_space<hbm>>) target(%arg7 : memref<158x128xi32, #tpu.memory_space<vmem>>) target_semaphore(%run_scoped3A_68 : memref<!tpu.dma_semaphore, #tpu.memory_space<semaphore_mem>>)
      %dma_wait3A_77 = arith.constant 0 : i32
      %dma_wait3A_78 = arith.constant 0 : i32
      %dma_wait3A_79 = tpu.memref_slice %arg3[%arg1, %dma_wait3A_77, %dma_wait3A_78] : memref<16x158x128xi32, #tpu.memory_space<hbm>> -> memref<1x158x128xi32, #tpu.memory_space<hbm>>
      %dma_wait3A_80 = tpu.memref_squeeze %dma_wait3A_79 : memref<1x158x128xi32, #tpu.memory_space<hbm>> -> memref<158x128xi32, #tpu.memory_space<hbm>>
      %dma_wait3A_81 = arith.constant 0 : i32
      %dma_wait3A_82 = arith.constant 0 : i32
      %dma_wait3A_83 = tpu.memref_slice %arg3[%arg1, %dma_wait3A_81, %dma_wait3A_82] : memref<16x158x128xi32, #tpu.memory_space<hbm>> -> memref<1x158x128xi32, #tpu.memory_space<hbm>>
      %dma_wait3A_84 = tpu.memref_squeeze %dma_wait3A_83 : memref<1x158x128xi32, #tpu.memory_space<hbm>> -> memref<158x128xi32, #tpu.memory_space<hbm>>
      tpu.wait_dma2 semaphore(%run_scoped3A_68 : memref<!tpu.dma_semaphore, #tpu.memory_space<semaphore_mem>>) src(%dma_wait3A_84 : memref<158x128xi32, #tpu.memory_space<hbm>>) dst(%arg7 : memref<158x128xi32, #tpu.memory_space<vmem>>)
      tpu.yield
    }) : () -> ()
    "tpu.region"() ({
      %run_scoped3A_68 = tpu.sem_alloc : memref<!tpu.dma_semaphore, #tpu.memory_space<semaphore_mem>>
      %dma_start3A_69 = arith.constant 0 : i32
      %dma_start3A_70 = arith.constant 0 : i32
      %dma_start3A_71 = tpu.memref_slice %arg4[%arg0, %arg1, %dma_start3A_69, %dma_start3A_70] : memref<2x16x158x128xi32, #tpu.memory_space<hbm>> -> memref<1x1x158x128xi32, #tpu.memory_space<hbm>>
      %dma_start3A_72 = tpu.memref_squeeze %dma_start3A_71 : memref<1x1x158x128xi32, #tpu.memory_space<hbm>> -> memref<158x128xi32, #tpu.memory_space<hbm>>
      %dma_start3A_73 = arith.constant 0 : i32
      %dma_start3A_74 = arith.constant 0 : i32
      %dma_start3A_75 = tpu.memref_slice %arg4[%arg0, %arg1, %dma_start3A_73, %dma_start3A_74] : memref<2x16x158x128xi32, #tpu.memory_space<hbm>> -> memref<1x1x158x128xi32, #tpu.memory_space<hbm>>
      %dma_start3A_76 = tpu.memref_squeeze %dma_start3A_75 : memref<1x1x158x128xi32, #tpu.memory_space<hbm>> -> memref<158x128xi32, #tpu.memory_space<hbm>>
      tpu.enqueue_dma source(%dma_start3A_76 : memref<158x128xi32, #tpu.memory_space<hbm>>) target(%arg8 : memref<158x128xi32, #tpu.memory_space<vmem>>) target_semaphore(%run_scoped3A_68 : memref<!tpu.dma_semaphore, #tpu.memory_space<semaphore_mem>>)
      %dma_wait3A_77 = arith.constant 0 : i32
      %dma_wait3A_78 = arith.constant 0 : i32
      %dma_wait3A_79 = tpu.memref_slice %arg4[%arg0, %arg1, %dma_wait3A_77, %dma_wait3A_78] : memref<2x16x158x128xi32, #tpu.memory_space<hbm>> -> memref<1x1x158x128xi32, #tpu.memory_space<hbm>>
      %dma_wait3A_80 = tpu.memref_squeeze %dma_wait3A_79 : memref<1x1x158x128xi32, #tpu.memory_space<hbm>> -> memref<158x128xi32, #tpu.memory_space<hbm>>
      %dma_wait3A_81 = arith.constant 0 : i32
      %dma_wait3A_82 = arith.constant 0 : i32
      %dma_wait3A_83 = tpu.memref_slice %arg4[%arg0, %arg1, %dma_wait3A_81, %dma_wait3A_82] : memref<2x16x158x128xi32, #tpu.memory_space<hbm>> -> memref<1x1x158x128xi32, #tpu.memory_space<hbm>>
      %dma_wait3A_84 = tpu.memref_squeeze %dma_wait3A_83 : memref<1x1x158x128xi32, #tpu.memory_space<hbm>> -> memref<158x128xi32, #tpu.memory_space<hbm>>
      tpu.wait_dma2 semaphore(%run_scoped3A_68 : memref<!tpu.dma_semaphore, #tpu.memory_space<semaphore_mem>>) src(%dma_wait3A_84 : memref<158x128xi32, #tpu.memory_space<hbm>>) dst(%arg8 : memref<158x128xi32, #tpu.memory_space<vmem>>)
      tpu.yield
    }) : () -> ()
    %barrier3A = arith.constant 0 : index
    tpu.barrier barrier_id(%barrier3A)
    %dma_start3A = arith.constant 0 : i32
    %dma_start3A_1 = arith.constant 0 : i32
    %dma_start3A_2 = arith.constant 0 : i32
    %dma_start3A_3 = arith.constant 0 : i32
    %dma_start3A_4 = arith.constant 0 : i32
    %dma_start3A_5 = tpu.memref_slice %arg9[%dma_start3A_1, %dma_start3A_3, %dma_start3A_4] : memref<2x128x128xf32, #tpu.memory_space<vmem>> -> memref<1x128x128xf32, #tpu.memory_space<vmem>>
    %dma_start3A_6 = tpu.memref_squeeze %dma_start3A_5 : memref<1x128x128xf32, #tpu.memory_space<vmem>> -> memref<128x128xf32, #tpu.memory_space<vmem>>
    %dma_start3A_7 = arith.constant 0 : i32
    %dma_start3A_8 = tpu.memref_slice %arg7[%dma_start3A, %dma_start3A_7] : memref<158x128xi32, #tpu.memory_space<vmem>> -> memref<1x128xi32, #tpu.memory_space<vmem>>
    %dma_start3A_9 = tpu.memref_squeeze %dma_start3A_8 : memref<1x128xi32, #tpu.memory_space<vmem>> -> memref<128xi32, #tpu.memory_space<vmem>>
    %dma_start3A_10 = arith.constant 0 : i32
    %dma_start3A_11 = arith.constant 0 : i32
    %dma_start3A_12 = tpu.memref_slice %arg2[%dma_start3A_10, %dma_start3A_11] : memref<10240x128xf32, #tpu.memory_space<hbm>> -> memref<10240x128xf32, #tpu.memory_space<hbm>>
    %dma_start3A_13 = tpu.memref_slice %arg10[%dma_start3A_2] : memref<2x!tpu.dma_semaphore, #tpu.memory_space<semaphore_mem>> -> memref<1x!tpu.dma_semaphore, #tpu.memory_space<semaphore_mem>>
    %dma_start3A_14 = tpu.memref_squeeze %dma_start3A_13 : memref<1x!tpu.dma_semaphore, #tpu.memory_space<semaphore_mem>> -> memref<!tpu.dma_semaphore, #tpu.memory_space<semaphore_mem>>
    tpu.enqueue_indirect_dma source(%dma_start3A_12 : memref<10240x128xf32, #tpu.memory_space<hbm>>) target(%dma_start3A_6 : memref<128x128xf32, #tpu.memory_space<vmem>>) offsets(%dma_start3A_9 : memref<128xi32, #tpu.memory_space<vmem>>) semaphore(%dma_start3A_14 : memref<!tpu.dma_semaphore, #tpu.memory_space<semaphore_mem>>)
    %dma_start3A_15 = arith.constant 1 : i32
    %dma_start3A_16 = arith.constant 1 : i32
    %dma_start3A_17 = arith.constant 1 : i32
    %dma_start3A_18 = arith.constant 0 : i32
    %dma_start3A_19 = arith.constant 0 : i32
    %dma_start3A_20 = tpu.memref_slice %arg9[%dma_start3A_16, %dma_start3A_18, %dma_start3A_19] : memref<2x128x128xf32, #tpu.memory_space<vmem>> -> memref<1x128x128xf32, #tpu.memory_space<vmem>>
    %dma_start3A_21 = tpu.memref_squeeze %dma_start3A_20 : memref<1x128x128xf32, #tpu.memory_space<vmem>> -> memref<128x128xf32, #tpu.memory_space<vmem>>
    %dma_start3A_22 = arith.constant 0 : i32
    %dma_start3A_23 = tpu.memref_slice %arg7[%dma_start3A_15, %dma_start3A_22] : memref<158x128xi32, #tpu.memory_space<vmem>> -> memref<1x128xi32, #tpu.memory_space<vmem>>
    %dma_start3A_24 = tpu.memref_squeeze %dma_start3A_23 : memref<1x128xi32, #tpu.memory_space<vmem>> -> memref<128xi32, #tpu.memory_space<vmem>>
    %dma_start3A_25 = arith.constant 0 : i32
    %dma_start3A_26 = arith.constant 0 : i32
    %dma_start3A_27 = tpu.memref_slice %arg2[%dma_start3A_25, %dma_start3A_26] : memref<10240x128xf32, #tpu.memory_space<hbm>> -> memref<10240x128xf32, #tpu.memory_space<hbm>>
    %dma_start3A_28 = tpu.memref_slice %arg10[%dma_start3A_17] : memref<2x!tpu.dma_semaphore, #tpu.memory_space<semaphore_mem>> -> memref<1x!tpu.dma_semaphore, #tpu.memory_space<semaphore_mem>>
    %dma_start3A_29 = tpu.memref_squeeze %dma_start3A_28 : memref<1x!tpu.dma_semaphore, #tpu.memory_space<semaphore_mem>> -> memref<!tpu.dma_semaphore, #tpu.memory_space<semaphore_mem>>
    tpu.enqueue_indirect_dma source(%dma_start3A_27 : memref<10240x128xf32, #tpu.memory_space<hbm>>) target(%dma_start3A_21 : memref<128x128xf32, #tpu.memory_space<vmem>>) offsets(%dma_start3A_24 : memref<128xi32, #tpu.memory_space<vmem>>) semaphore(%dma_start3A_29 : memref<!tpu.dma_semaphore, #tpu.memory_space<semaphore_mem>>)
    %scan3A = arith.constant 0 : i32
    %scan3A_30 = arith.constant 0 : i32
    %scan3A_31 = arith.constant 78 : i32
    %scan3A_32 = arith.addi %scan3A_30, %scan3A_31 : i32
    %scan3A_33 = arith.constant 1 : i32
    scf.for %scan3A_68 = %scan3A_30 to %scan3A_32 step %scan3A_33  : i32 {
      %mul3A_69 = arith.constant 2 : i32
      %mul3A_70 = arith.muli %mul3A_69, %scan3A_68 : i32
      %add3A = arith.constant 0 : i32
      %add3A_71 = arith.addi %mul3A_70, %add3A : i32
      %dma_wait3A_72 = arith.constant 0 : i32
      %dma_wait3A_73 = arith.constant 0 : i32
      %dma_wait3A_74 = arith.constant 0 : i32
      %dma_wait3A_75 = arith.constant 0 : i32
      %dma_wait3A_76 = tpu.memref_slice %arg9[%dma_wait3A_72, %dma_wait3A_74, %dma_wait3A_75] : memref<2x128x128xf32, #tpu.memory_space<vmem>> -> memref<1x128x128xf32, #tpu.memory_space<vmem>>
      %dma_wait3A_77 = tpu.memref_squeeze %dma_wait3A_76 : memref<1x128x128xf32, #tpu.memory_space<vmem>> -> memref<128x128xf32, #tpu.memory_space<vmem>>
      %dma_wait3A_78 = arith.constant 0 : i32
      %dma_wait3A_79 = tpu.memref_slice %arg7[%add3A_71, %dma_wait3A_78] : memref<158x128xi32, #tpu.memory_space<vmem>> -> memref<1x128xi32, #tpu.memory_space<vmem>>
      %dma_wait3A_80 = tpu.memref_squeeze %dma_wait3A_79 : memref<1x128xi32, #tpu.memory_space<vmem>> -> memref<128xi32, #tpu.memory_space<vmem>>
      %dma_wait3A_81 = arith.constant 0 : i32
      %dma_wait3A_82 = arith.constant 0 : i32
      %dma_wait3A_83 = tpu.memref_slice %arg2[%dma_wait3A_81, %dma_wait3A_82] : memref<10240x128xf32, #tpu.memory_space<hbm>> -> memref<10240x128xf32, #tpu.memory_space<hbm>>
      %dma_wait3A_84 = tpu.memref_slice %arg10[%dma_wait3A_73] : memref<2x!tpu.dma_semaphore, #tpu.memory_space<semaphore_mem>> -> memref<1x!tpu.dma_semaphore, #tpu.memory_space<semaphore_mem>>
      %dma_wait3A_85 = tpu.memref_squeeze %dma_wait3A_84 : memref<1x!tpu.dma_semaphore, #tpu.memory_space<semaphore_mem>> -> memref<!tpu.dma_semaphore, #tpu.memory_space<semaphore_mem>>
      tpu.wait_indirect_dma semaphore(%dma_wait3A_85 : memref<!tpu.dma_semaphore, #tpu.memory_space<semaphore_mem>>) src(%dma_wait3A_83 : memref<10240x128xf32, #tpu.memory_space<hbm>>) dst(%dma_wait3A_77 : memref<128x128xf32, #tpu.memory_space<vmem>>)
      %dma_start3A_86 = arith.constant 0 : i32
      %dma_start3A_87 = arith.constant 0 : i32
      %dma_start3A_88 = arith.constant 0 : i32
      %dma_start3A_89 = arith.constant 0 : i32
      %dma_start3A_90 = tpu.memref_slice %arg9[%dma_start3A_86, %dma_start3A_88, %dma_start3A_89] : memref<2x128x128xf32, #tpu.memory_space<vmem>> -> memref<1x128x128xf32, #tpu.memory_space<vmem>>
      %dma_start3A_91 = tpu.memref_squeeze %dma_start3A_90 : memref<1x128x128xf32, #tpu.memory_space<vmem>> -> memref<128x128xf32, #tpu.memory_space<vmem>>
      %dma_start3A_92 = arith.constant 0 : i32
      %dma_start3A_93 = tpu.memref_slice %arg8[%add3A_71, %dma_start3A_92] : memref<158x128xi32, #tpu.memory_space<vmem>> -> memref<1x128xi32, #tpu.memory_space<vmem>>
      %dma_start3A_94 = tpu.memref_squeeze %dma_start3A_93 : memref<1x128xi32, #tpu.memory_space<vmem>> -> memref<128xi32, #tpu.memory_space<vmem>>
      %dma_start3A_95 = arith.constant 0 : i32
      %dma_start3A_96 = arith.constant 0 : i32
      %dma_start3A_97 = tpu.memref_slice %arg12[%dma_start3A_95, %dma_start3A_96] : memref<5128x128xf32, #tpu.memory_space<vmem_shared>> -> memref<5128x128xf32, #tpu.memory_space<vmem_shared>>
      %dma_start3A_98 = tpu.memref_slice %arg11[%dma_start3A_87] : memref<2x!tpu.dma_semaphore, #tpu.memory_space<semaphore_mem>> -> memref<1x!tpu.dma_semaphore, #tpu.memory_space<semaphore_mem>>
      %dma_start3A_99 = tpu.memref_squeeze %dma_start3A_98 : memref<1x!tpu.dma_semaphore, #tpu.memory_space<semaphore_mem>> -> memref<!tpu.dma_semaphore, #tpu.memory_space<semaphore_mem>>
      tpu.enqueue_indirect_dma source(%dma_start3A_91 : memref<128x128xf32, #tpu.memory_space<vmem>>) target(%dma_start3A_97 : memref<5128x128xf32, #tpu.memory_space<vmem_shared>>) offsets(%dma_start3A_94 : memref<128xi32, #tpu.memory_space<vmem>>) semaphore(%dma_start3A_99 : memref<!tpu.dma_semaphore, #tpu.memory_space<semaphore_mem>>) {add = true}
      %dma_wait3A_100 = arith.constant 0 : i32
      %dma_wait3A_101 = arith.constant 0 : i32
      %dma_wait3A_102 = arith.constant 0 : i32
      %dma_wait3A_103 = arith.constant 0 : i32
      %dma_wait3A_104 = tpu.memref_slice %arg9[%dma_wait3A_100, %dma_wait3A_102, %dma_wait3A_103] : memref<2x128x128xf32, #tpu.memory_space<vmem>> -> memref<1x128x128xf32, #tpu.memory_space<vmem>>
      %dma_wait3A_105 = tpu.memref_squeeze %dma_wait3A_104 : memref<1x128x128xf32, #tpu.memory_space<vmem>> -> memref<128x128xf32, #tpu.memory_space<vmem>>
      %dma_wait3A_106 = arith.constant 0 : i32
      %dma_wait3A_107 = tpu.memref_slice %arg8[%add3A_71, %dma_wait3A_106] : memref<158x128xi32, #tpu.memory_space<vmem>> -> memref<1x128xi32, #tpu.memory_space<vmem>>
      %dma_wait3A_108 = tpu.memref_squeeze %dma_wait3A_107 : memref<1x128xi32, #tpu.memory_space<vmem>> -> memref<128xi32, #tpu.memory_space<vmem>>
      %dma_wait3A_109 = arith.constant 0 : i32
      %dma_wait3A_110 = arith.constant 0 : i32
      %dma_wait3A_111 = tpu.memref_slice %arg12[%dma_wait3A_109, %dma_wait3A_110] : memref<5128x128xf32, #tpu.memory_space<vmem_shared>> -> memref<5128x128xf32, #tpu.memory_space<vmem_shared>>
      %dma_wait3A_112 = tpu.memref_slice %arg11[%dma_wait3A_101] : memref<2x!tpu.dma_semaphore, #tpu.memory_space<semaphore_mem>> -> memref<1x!tpu.dma_semaphore, #tpu.memory_space<semaphore_mem>>
      %dma_wait3A_113 = tpu.memref_squeeze %dma_wait3A_112 : memref<1x!tpu.dma_semaphore, #tpu.memory_space<semaphore_mem>> -> memref<!tpu.dma_semaphore, #tpu.memory_space<semaphore_mem>>
      tpu.wait_indirect_dma semaphore(%dma_wait3A_113 : memref<!tpu.dma_semaphore, #tpu.memory_space<semaphore_mem>>) src(%dma_wait3A_105 : memref<128x128xf32, #tpu.memory_space<vmem>>) dst(%dma_wait3A_111 : memref<5128x128xf32, #tpu.memory_space<vmem_shared>>)
      %add3A_114 = arith.constant 2 : i32
      %add3A_115 = arith.addi %add3A_71, %add3A_114 : i32
      %dma_start3A_116 = arith.constant 0 : i32
      %dma_start3A_117 = arith.constant 0 : i32
      %dma_start3A_118 = arith.constant 0 : i32
      %dma_start3A_119 = arith.constant 0 : i32
      %dma_start3A_120 = tpu.memref_slice %arg9[%dma_start3A_116, %dma_start3A_118, %dma_start3A_119] : memref<2x128x128xf32, #tpu.memory_space<vmem>> -> memref<1x128x128xf32, #tpu.memory_space<vmem>>
      %dma_start3A_121 = tpu.memref_squeeze %dma_start3A_120 : memref<1x128x128xf32, #tpu.memory_space<vmem>> -> memref<128x128xf32, #tpu.memory_space<vmem>>
      %dma_start3A_122 = arith.constant 0 : i32
      %dma_start3A_123 = tpu.memref_slice %arg7[%add3A_115, %dma_start3A_122] : memref<158x128xi32, #tpu.memory_space<vmem>> -> memref<1x128xi32, #tpu.memory_space<vmem>>
      %dma_start3A_124 = tpu.memref_squeeze %dma_start3A_123 : memref<1x128xi32, #tpu.memory_space<vmem>> -> memref<128xi32, #tpu.memory_space<vmem>>
      %dma_start3A_125 = arith.constant 0 : i32
      %dma_start3A_126 = arith.constant 0 : i32
      %dma_start3A_127 = tpu.memref_slice %arg2[%dma_start3A_125, %dma_start3A_126] : memref<10240x128xf32, #tpu.memory_space<hbm>> -> memref<10240x128xf32, #tpu.memory_space<hbm>>
      %dma_start3A_128 = tpu.memref_slice %arg10[%dma_start3A_117] : memref<2x!tpu.dma_semaphore, #tpu.memory_space<semaphore_mem>> -> memref<1x!tpu.dma_semaphore, #tpu.memory_space<semaphore_mem>>
      %dma_start3A_129 = tpu.memref_squeeze %dma_start3A_128 : memref<1x!tpu.dma_semaphore, #tpu.memory_space<semaphore_mem>> -> memref<!tpu.dma_semaphore, #tpu.memory_space<semaphore_mem>>
      tpu.enqueue_indirect_dma source(%dma_start3A_127 : memref<10240x128xf32, #tpu.memory_space<hbm>>) target(%dma_start3A_121 : memref<128x128xf32, #tpu.memory_space<vmem>>) offsets(%dma_start3A_124 : memref<128xi32, #tpu.memory_space<vmem>>) semaphore(%dma_start3A_129 : memref<!tpu.dma_semaphore, #tpu.memory_space<semaphore_mem>>)
      %mul3A_130 = arith.constant 2 : i32
      %mul3A_131 = arith.muli %mul3A_130, %scan3A_68 : i32
      %add3A_132 = arith.constant 1 : i32
      %add3A_133 = arith.addi %mul3A_131, %add3A_132 : i32
      %dma_wait3A_134 = arith.constant 1 : i32
      %dma_wait3A_135 = arith.constant 1 : i32
      %dma_wait3A_136 = arith.constant 0 : i32
      %dma_wait3A_137 = arith.constant 0 : i32
      %dma_wait3A_138 = tpu.memref_slice %arg9[%dma_wait3A_134, %dma_wait3A_136, %dma_wait3A_137] : memref<2x128x128xf32, #tpu.memory_space<vmem>> -> memref<1x128x128xf32, #tpu.memory_space<vmem>>
      %dma_wait3A_139 = tpu.memref_squeeze %dma_wait3A_138 : memref<1x128x128xf32, #tpu.memory_space<vmem>> -> memref<128x128xf32, #tpu.memory_space<vmem>>
      %dma_wait3A_140 = arith.constant 0 : i32
      %dma_wait3A_141 = tpu.memref_slice %arg7[%add3A_133, %dma_wait3A_140] : memref<158x128xi32, #tpu.memory_space<vmem>> -> memref<1x128xi32, #tpu.memory_space<vmem>>
      %dma_wait3A_142 = tpu.memref_squeeze %dma_wait3A_141 : memref<1x128xi32, #tpu.memory_space<vmem>> -> memref<128xi32, #tpu.memory_space<vmem>>
      %dma_wait3A_143 = arith.constant 0 : i32
      %dma_wait3A_144 = arith.constant 0 : i32
      %dma_wait3A_145 = tpu.memref_slice %arg2[%dma_wait3A_143, %dma_wait3A_144] : memref<10240x128xf32, #tpu.memory_space<hbm>> -> memref<10240x128xf32, #tpu.memory_space<hbm>>
      %dma_wait3A_146 = tpu.memref_slice %arg10[%dma_wait3A_135] : memref<2x!tpu.dma_semaphore, #tpu.memory_space<semaphore_mem>> -> memref<1x!tpu.dma_semaphore, #tpu.memory_space<semaphore_mem>>
      %dma_wait3A_147 = tpu.memref_squeeze %dma_wait3A_146 : memref<1x!tpu.dma_semaphore, #tpu.memory_space<semaphore_mem>> -> memref<!tpu.dma_semaphore, #tpu.memory_space<semaphore_mem>>
      tpu.wait_indirect_dma semaphore(%dma_wait3A_147 : memref<!tpu.dma_semaphore, #tpu.memory_space<semaphore_mem>>) src(%dma_wait3A_145 : memref<10240x128xf32, #tpu.memory_space<hbm>>) dst(%dma_wait3A_139 : memref<128x128xf32, #tpu.memory_space<vmem>>)
      %dma_start3A_148 = arith.constant 1 : i32
      %dma_start3A_149 = arith.constant 1 : i32
      %dma_start3A_150 = arith.constant 0 : i32
      %dma_start3A_151 = arith.constant 0 : i32
      %dma_start3A_152 = tpu.memref_slice %arg9[%dma_start3A_148, %dma_start3A_150, %dma_start3A_151] : memref<2x128x128xf32, #tpu.memory_space<vmem>> -> memref<1x128x128xf32, #tpu.memory_space<vmem>>
      %dma_start3A_153 = tpu.memref_squeeze %dma_start3A_152 : memref<1x128x128xf32, #tpu.memory_space<vmem>> -> memref<128x128xf32, #tpu.memory_space<vmem>>
      %dma_start3A_154 = arith.constant 0 : i32
      %dma_start3A_155 = tpu.memref_slice %arg8[%add3A_133, %dma_start3A_154] : memref<158x128xi32, #tpu.memory_space<vmem>> -> memref<1x128xi32, #tpu.memory_space<vmem>>
      %dma_start3A_156 = tpu.memref_squeeze %dma_start3A_155 : memref<1x128xi32, #tpu.memory_space<vmem>> -> memref<128xi32, #tpu.memory_space<vmem>>
      %dma_start3A_157 = arith.constant 0 : i32
      %dma_start3A_158 = arith.constant 0 : i32
      %dma_start3A_159 = tpu.memref_slice %arg12[%dma_start3A_157, %dma_start3A_158] : memref<5128x128xf32, #tpu.memory_space<vmem_shared>> -> memref<5128x128xf32, #tpu.memory_space<vmem_shared>>
      %dma_start3A_160 = tpu.memref_slice %arg11[%dma_start3A_149] : memref<2x!tpu.dma_semaphore, #tpu.memory_space<semaphore_mem>> -> memref<1x!tpu.dma_semaphore, #tpu.memory_space<semaphore_mem>>
      %dma_start3A_161 = tpu.memref_squeeze %dma_start3A_160 : memref<1x!tpu.dma_semaphore, #tpu.memory_space<semaphore_mem>> -> memref<!tpu.dma_semaphore, #tpu.memory_space<semaphore_mem>>
      tpu.enqueue_indirect_dma source(%dma_start3A_153 : memref<128x128xf32, #tpu.memory_space<vmem>>) target(%dma_start3A_159 : memref<5128x128xf32, #tpu.memory_space<vmem_shared>>) offsets(%dma_start3A_156 : memref<128xi32, #tpu.memory_space<vmem>>) semaphore(%dma_start3A_161 : memref<!tpu.dma_semaphore, #tpu.memory_space<semaphore_mem>>) {add = true}
      %dma_wait3A_162 = arith.constant 1 : i32
      %dma_wait3A_163 = arith.constant 1 : i32
      %dma_wait3A_164 = arith.constant 0 : i32
      %dma_wait3A_165 = arith.constant 0 : i32
      %dma_wait3A_166 = tpu.memref_slice %arg9[%dma_wait3A_162, %dma_wait3A_164, %dma_wait3A_165] : memref<2x128x128xf32, #tpu.memory_space<vmem>> -> memref<1x128x128xf32, #tpu.memory_space<vmem>>
      %dma_wait3A_167 = tpu.memref_squeeze %dma_wait3A_166 : memref<1x128x128xf32, #tpu.memory_space<vmem>> -> memref<128x128xf32, #tpu.memory_space<vmem>>
      %dma_wait3A_168 = arith.constant 0 : i32
      %dma_wait3A_169 = tpu.memref_slice %arg8[%add3A_133, %dma_wait3A_168] : memref<158x128xi32, #tpu.memory_space<vmem>> -> memref<1x128xi32, #tpu.memory_space<vmem>>
      %dma_wait3A_170 = tpu.memref_squeeze %dma_wait3A_169 : memref<1x128xi32, #tpu.memory_space<vmem>> -> memref<128xi32, #tpu.memory_space<vmem>>
      %dma_wait3A_171 = arith.constant 0 : i32
      %dma_wait3A_172 = arith.constant 0 : i32
      %dma_wait3A_173 = tpu.memref_slice %arg12[%dma_wait3A_171, %dma_wait3A_172] : memref<5128x128xf32, #tpu.memory_space<vmem_shared>> -> memref<5128x128xf32, #tpu.memory_space<vmem_shared>>
      %dma_wait3A_174 = tpu.memref_slice %arg11[%dma_wait3A_163] : memref<2x!tpu.dma_semaphore, #tpu.memory_space<semaphore_mem>> -> memref<1x!tpu.dma_semaphore, #tpu.memory_space<semaphore_mem>>
      %dma_wait3A_175 = tpu.memref_squeeze %dma_wait3A_174 : memref<1x!tpu.dma_semaphore, #tpu.memory_space<semaphore_mem>> -> memref<!tpu.dma_semaphore, #tpu.memory_space<semaphore_mem>>
      tpu.wait_indirect_dma semaphore(%dma_wait3A_175 : memref<!tpu.dma_semaphore, #tpu.memory_space<semaphore_mem>>) src(%dma_wait3A_167 : memref<128x128xf32, #tpu.memory_space<vmem>>) dst(%dma_wait3A_173 : memref<5128x128xf32, #tpu.memory_space<vmem_shared>>)
      %add3A_176 = arith.constant 2 : i32
      %add3A_177 = arith.addi %add3A_133, %add3A_176 : i32
      %dma_start3A_178 = arith.constant 1 : i32
      %dma_start3A_179 = arith.constant 1 : i32
      %dma_start3A_180 = arith.constant 0 : i32
      %dma_start3A_181 = arith.constant 0 : i32
      %dma_start3A_182 = tpu.memref_slice %arg9[%dma_start3A_178, %dma_start3A_180, %dma_start3A_181] : memref<2x128x128xf32, #tpu.memory_space<vmem>> -> memref<1x128x128xf32, #tpu.memory_space<vmem>>
      %dma_start3A_183 = tpu.memref_squeeze %dma_start3A_182 : memref<1x128x128xf32, #tpu.memory_space<vmem>> -> memref<128x128xf32, #tpu.memory_space<vmem>>
      %dma_start3A_184 = arith.constant 0 : i32
      %dma_start3A_185 = tpu.memref_slice %arg7[%add3A_177, %dma_start3A_184] : memref<158x128xi32, #tpu.memory_space<vmem>> -> memref<1x128xi32, #tpu.memory_space<vmem>>
      %dma_start3A_186 = tpu.memref_squeeze %dma_start3A_185 : memref<1x128xi32, #tpu.memory_space<vmem>> -> memref<128xi32, #tpu.memory_space<vmem>>
      %dma_start3A_187 = arith.constant 0 : i32
      %dma_start3A_188 = arith.constant 0 : i32
      %dma_start3A_189 = tpu.memref_slice %arg2[%dma_start3A_187, %dma_start3A_188] : memref<10240x128xf32, #tpu.memory_space<hbm>> -> memref<10240x128xf32, #tpu.memory_space<hbm>>
      %dma_start3A_190 = tpu.memref_slice %arg10[%dma_start3A_179] : memref<2x!tpu.dma_semaphore, #tpu.memory_space<semaphore_mem>> -> memref<1x!tpu.dma_semaphore, #tpu.memory_space<semaphore_mem>>
      %dma_start3A_191 = tpu.memref_squeeze %dma_start3A_190 : memref<1x!tpu.dma_semaphore, #tpu.memory_space<semaphore_mem>> -> memref<!tpu.dma_semaphore, #tpu.memory_space<semaphore_mem>>
      tpu.enqueue_indirect_dma source(%dma_start3A_189 : memref<10240x128xf32, #tpu.memory_space<hbm>>) target(%dma_start3A_183 : memref<128x128xf32, #tpu.memory_space<vmem>>) offsets(%dma_start3A_186 : memref<128xi32, #tpu.memory_space<vmem>>) semaphore(%dma_start3A_191 : memref<!tpu.dma_semaphore, #tpu.memory_space<semaphore_mem>>)
    }
    %scan3A_34 = arith.constant 78 : i32
    %dma_wait3A = arith.constant 156 : i32
    %dma_wait3A_35 = arith.constant 0 : i32
    %dma_wait3A_36 = arith.constant 0 : i32
    %dma_wait3A_37 = arith.constant 0 : i32
    %dma_wait3A_38 = arith.constant 0 : i32
    %dma_wait3A_39 = tpu.memref_slice %arg9[%dma_wait3A_35, %dma_wait3A_37, %dma_wait3A_38] : memref<2x128x128xf32, #tpu.memory_space<vmem>> -> memref<1x128x128xf32, #tpu.memory_space<vmem>>
    %dma_wait3A_40 = tpu.memref_squeeze %dma_wait3A_39 : memref<1x128x128xf32, #tpu.memory_space<vmem>> -> memref<128x128xf32, #tpu.memory_space<vmem>>
    %dma_wait3A_41 = arith.constant 0 : i32
    %dma_wait3A_42 = tpu.memref_slice %arg7[%dma_wait3A, %dma_wait3A_41] : memref<158x128xi32, #tpu.memory_space<vmem>> -> memref<1x128xi32, #tpu.memory_space<vmem>>
    %dma_wait3A_43 = tpu.memref_squeeze %dma_wait3A_42 : memref<1x128xi32, #tpu.memory_space<vmem>> -> memref<128xi32, #tpu.memory_space<vmem>>
    %dma_wait3A_44 = arith.constant 0 : i32
    %dma_wait3A_45 = arith.constant 0 : i32
    %dma_wait3A_46 = tpu.memref_slice %arg2[%dma_wait3A_44, %dma_wait3A_45] : memref<10240x128xf32, #tpu.memory_space<hbm>> -> memref<10240x128xf32, #tpu.memory_space<hbm>>
    %dma_wait3A_47 = tpu.memref_slice %arg10[%dma_wait3A_36] : memref<2x!tpu.dma_semaphore, #tpu.memory_space<semaphore_mem>> -> memref<1x!tpu.dma_semaphore, #tpu.memory_space<semaphore_mem>>
    %dma_wait3A_48 = tpu.memref_squeeze %dma_wait3A_47 : memref<1x!tpu.dma_semaphore, #tpu.memory_space<semaphore_mem>> -> memref<!tpu.dma_semaphore, #tpu.memory_space<semaphore_mem>>
    tpu.wait_indirect_dma semaphore(%dma_wait3A_48 : memref<!tpu.dma_semaphore, #tpu.memory_space<semaphore_mem>>) src(%dma_wait3A_46 : memref<10240x128xf32, #tpu.memory_space<hbm>>) dst(%dma_wait3A_40 : memref<128x128xf32, #tpu.memory_space<vmem>>)
    %run_scoped3A = arith.constant 0 : i32
    %run_scoped3A_49 = arith.constant 156 : i32
    "tpu.region"() ({
      %run_scoped3A_68 = tpu.sem_alloc : memref<!tpu.dma_semaphore, #tpu.memory_space<semaphore_mem>>
      %dma_start3A_69 = arith.constant 0 : i32
      %dma_start3A_70 = arith.constant 0 : i32
      %dma_start3A_71 = tpu.memref_slice %arg9[%run_scoped3A, %dma_start3A_69, %dma_start3A_70] : memref<2x128x128xf32, #tpu.memory_space<vmem>> -> memref<1x128x128xf32, #tpu.memory_space<vmem>>
      %dma_start3A_72 = tpu.memref_squeeze %dma_start3A_71 : memref<1x128x128xf32, #tpu.memory_space<vmem>> -> memref<128x128xf32, #tpu.memory_space<vmem>>
      %dma_start3A_73 = arith.constant 0 : i32
      %dma_start3A_74 = tpu.memref_slice %arg8[%run_scoped3A_49, %dma_start3A_73] : memref<158x128xi32, #tpu.memory_space<vmem>> -> memref<1x128xi32, #tpu.memory_space<vmem>>
      %dma_start3A_75 = tpu.memref_squeeze %dma_start3A_74 : memref<1x128xi32, #tpu.memory_space<vmem>> -> memref<128xi32, #tpu.memory_space<vmem>>
      %dma_start3A_76 = arith.constant 0 : i32
      %dma_start3A_77 = arith.constant 0 : i32
      %dma_start3A_78 = tpu.memref_slice %arg12[%dma_start3A_76, %dma_start3A_77] : memref<5128x128xf32, #tpu.memory_space<vmem_shared>> -> memref<5128x128xf32, #tpu.memory_space<vmem_shared>>
      tpu.enqueue_indirect_dma source(%dma_start3A_72 : memref<128x128xf32, #tpu.memory_space<vmem>>) target(%dma_start3A_78 : memref<5128x128xf32, #tpu.memory_space<vmem_shared>>) offsets(%dma_start3A_75 : memref<128xi32, #tpu.memory_space<vmem>>) semaphore(%run_scoped3A_68 : memref<!tpu.dma_semaphore, #tpu.memory_space<semaphore_mem>>) {add = true}
      %dma_wait3A_79 = arith.constant 0 : i32
      %dma_wait3A_80 = arith.constant 0 : i32
      %dma_wait3A_81 = tpu.memref_slice %arg9[%run_scoped3A, %dma_wait3A_79, %dma_wait3A_80] : memref<2x128x128xf32, #tpu.memory_space<vmem>> -> memref<1x128x128xf32, #tpu.memory_space<vmem>>
      %dma_wait3A_82 = tpu.memref_squeeze %dma_wait3A_81 : memref<1x128x128xf32, #tpu.memory_space<vmem>> -> memref<128x128xf32, #tpu.memory_space<vmem>>
      %dma_wait3A_83 = arith.constant 0 : i32
      %dma_wait3A_84 = tpu.memref_slice %arg8[%run_scoped3A_49, %dma_wait3A_83] : memref<158x128xi32, #tpu.memory_space<vmem>> -> memref<1x128xi32, #tpu.memory_space<vmem>>
      %dma_wait3A_85 = tpu.memref_squeeze %dma_wait3A_84 : memref<1x128xi32, #tpu.memory_space<vmem>> -> memref<128xi32, #tpu.memory_space<vmem>>
      %dma_wait3A_86 = arith.constant 0 : i32
      %dma_wait3A_87 = arith.constant 0 : i32
      %dma_wait3A_88 = tpu.memref_slice %arg12[%dma_wait3A_86, %dma_wait3A_87] : memref<5128x128xf32, #tpu.memory_space<vmem_shared>> -> memref<5128x128xf32, #tpu.memory_space<vmem_shared>>
      tpu.wait_indirect_dma semaphore(%run_scoped3A_68 : memref<!tpu.dma_semaphore, #tpu.memory_space<semaphore_mem>>) src(%dma_wait3A_82 : memref<128x128xf32, #tpu.memory_space<vmem>>) dst(%dma_wait3A_88 : memref<5128x128xf32, #tpu.memory_space<vmem_shared>>)
      tpu.yield
    }) : () -> ()
    %dma_wait3A_50 = arith.constant 157 : i32
    %dma_wait3A_51 = arith.constant 1 : i32
    %dma_wait3A_52 = arith.constant 1 : i32
    %dma_wait3A_53 = arith.constant 0 : i32
    %dma_wait3A_54 = arith.constant 0 : i32
    %dma_wait3A_55 = tpu.memref_slice %arg9[%dma_wait3A_51, %dma_wait3A_53, %dma_wait3A_54] : memref<2x128x128xf32, #tpu.memory_space<vmem>> -> memref<1x128x128xf32, #tpu.memory_space<vmem>>
    %dma_wait3A_56 = tpu.memref_squeeze %dma_wait3A_55 : memref<1x128x128xf32, #tpu.memory_space<vmem>> -> memref<128x128xf32, #tpu.memory_space<vmem>>
    %dma_wait3A_57 = arith.constant 0 : i32
    %dma_wait3A_58 = tpu.memref_slice %arg7[%dma_wait3A_50, %dma_wait3A_57] : memref<158x128xi32, #tpu.memory_space<vmem>> -> memref<1x128xi32, #tpu.memory_space<vmem>>
    %dma_wait3A_59 = tpu.memref_squeeze %dma_wait3A_58 : memref<1x128xi32, #tpu.memory_space<vmem>> -> memref<128xi32, #tpu.memory_space<vmem>>
    %dma_wait3A_60 = arith.constant 0 : i32
    %dma_wait3A_61 = arith.constant 0 : i32
    %dma_wait3A_62 = tpu.memref_slice %arg2[%dma_wait3A_60, %dma_wait3A_61] : memref<10240x128xf32, #tpu.memory_space<hbm>> -> memref<10240x128xf32, #tpu.memory_space<hbm>>
    %dma_wait3A_63 = tpu.memref_slice %arg10[%dma_wait3A_52] : memref<2x!tpu.dma_semaphore, #tpu.memory_space<semaphore_mem>> -> memref<1x!tpu.dma_semaphore, #tpu.memory_space<semaphore_mem>>
    %dma_wait3A_64 = tpu.memref_squeeze %dma_wait3A_63 : memref<1x!tpu.dma_semaphore, #tpu.memory_space<semaphore_mem>> -> memref<!tpu.dma_semaphore, #tpu.memory_space<semaphore_mem>>
    tpu.wait_indirect_dma semaphore(%dma_wait3A_64 : memref<!tpu.dma_semaphore, #tpu.memory_space<semaphore_mem>>) src(%dma_wait3A_62 : memref<10240x128xf32, #tpu.memory_space<hbm>>) dst(%dma_wait3A_56 : memref<128x128xf32, #tpu.memory_space<vmem>>)
    %run_scoped3A_65 = arith.constant 1 : i32
    %run_scoped3A_66 = arith.constant 157 : i32
    "tpu.region"() ({
      %run_scoped3A_68 = tpu.sem_alloc : memref<!tpu.dma_semaphore, #tpu.memory_space<semaphore_mem>>
      %dma_start3A_69 = arith.constant 0 : i32
      %dma_start3A_70 = arith.constant 0 : i32
      %dma_start3A_71 = tpu.memref_slice %arg9[%run_scoped3A_65, %dma_start3A_69, %dma_start3A_70] : memref<2x128x128xf32, #tpu.memory_space<vmem>> -> memref<1x128x128xf32, #tpu.memory_space<vmem>>
      %dma_start3A_72 = tpu.memref_squeeze %dma_start3A_71 : memref<1x128x128xf32, #tpu.memory_space<vmem>> -> memref<128x128xf32, #tpu.memory_space<vmem>>
      %dma_start3A_73 = arith.constant 0 : i32
      %dma_start3A_74 = tpu.memref_slice %arg8[%run_scoped3A_66, %dma_start3A_73] : memref<158x128xi32, #tpu.memory_space<vmem>> -> memref<1x128xi32, #tpu.memory_space<vmem>>
      %dma_start3A_75 = tpu.memref_squeeze %dma_start3A_74 : memref<1x128xi32, #tpu.memory_space<vmem>> -> memref<128xi32, #tpu.memory_space<vmem>>
      %dma_start3A_76 = arith.constant 0 : i32
      %dma_start3A_77 = arith.constant 0 : i32
      %dma_start3A_78 = tpu.memref_slice %arg12[%dma_start3A_76, %dma_start3A_77] : memref<5128x128xf32, #tpu.memory_space<vmem_shared>> -> memref<5128x128xf32, #tpu.memory_space<vmem_shared>>
      tpu.enqueue_indirect_dma source(%dma_start3A_72 : memref<128x128xf32, #tpu.memory_space<vmem>>) target(%dma_start3A_78 : memref<5128x128xf32, #tpu.memory_space<vmem_shared>>) offsets(%dma_start3A_75 : memref<128xi32, #tpu.memory_space<vmem>>) semaphore(%run_scoped3A_68 : memref<!tpu.dma_semaphore, #tpu.memory_space<semaphore_mem>>) {add = true}
      %dma_wait3A_79 = arith.constant 0 : i32
      %dma_wait3A_80 = arith.constant 0 : i32
      %dma_wait3A_81 = tpu.memref_slice %arg9[%run_scoped3A_65, %dma_wait3A_79, %dma_wait3A_80] : memref<2x128x128xf32, #tpu.memory_space<vmem>> -> memref<1x128x128xf32, #tpu.memory_space<vmem>>
      %dma_wait3A_82 = tpu.memref_squeeze %dma_wait3A_81 : memref<1x128x128xf32, #tpu.memory_space<vmem>> -> memref<128x128xf32, #tpu.memory_space<vmem>>
      %dma_wait3A_83 = arith.constant 0 : i32
      %dma_wait3A_84 = tpu.memref_slice %arg8[%run_scoped3A_66, %dma_wait3A_83] : memref<158x128xi32, #tpu.memory_space<vmem>> -> memref<1x128xi32, #tpu.memory_space<vmem>>
      %dma_wait3A_85 = tpu.memref_squeeze %dma_wait3A_84 : memref<1x128xi32, #tpu.memory_space<vmem>> -> memref<128xi32, #tpu.memory_space<vmem>>
      %dma_wait3A_86 = arith.constant 0 : i32
      %dma_wait3A_87 = arith.constant 0 : i32
      %dma_wait3A_88 = tpu.memref_slice %arg12[%dma_wait3A_86, %dma_wait3A_87] : memref<5128x128xf32, #tpu.memory_space<vmem_shared>> -> memref<5128x128xf32, #tpu.memory_space<vmem_shared>>
      tpu.wait_indirect_dma semaphore(%run_scoped3A_68 : memref<!tpu.dma_semaphore, #tpu.memory_space<semaphore_mem>>) src(%dma_wait3A_82 : memref<128x128xf32, #tpu.memory_space<vmem>>) dst(%dma_wait3A_88 : memref<5128x128xf32, #tpu.memory_space<vmem_shared>>)
      tpu.yield
    }) : () -> ()
    %barrier3A_67 = arith.constant 0 : index
    tpu.barrier barrier_id(%barrier3A_67)
    "tpu.region"() ({
      %run_scoped3A_68 = tpu.sem_alloc : memref<!tpu.dma_semaphore, #tpu.memory_space<semaphore_mem>>
      %dma_start3A_69 = arith.constant 0 : i32
      %dma_start3A_70 = tpu.memref_slice %arg6[%arg0, %mul3A_0, %dma_start3A_69] : memref<2x5120x128xf32, #tpu.memory_space<hbm>> -> memref<1x320x128xf32, #tpu.memory_space<hbm>>
      %dma_start3A_71 = tpu.memref_squeeze %dma_start3A_70 : memref<1x320x128xf32, #tpu.memory_space<hbm>> -> memref<320x128xf32, #tpu.memory_space<hbm>>
      %dma_start3A_72 = arith.constant 0 : i32
      %dma_start3A_73 = tpu.memref_slice %arg12[%mul3A_0, %dma_start3A_72] : memref<5128x128xf32, #tpu.memory_space<vmem_shared>> -> memref<320x128xf32, #tpu.memory_space<vmem_shared>>
      tpu.enqueue_dma source(%dma_start3A_73 : memref<320x128xf32, #tpu.memory_space<vmem_shared>>) target(%dma_start3A_71 : memref<320x128xf32, #tpu.memory_space<hbm>>) target_semaphore(%run_scoped3A_68 : memref<!tpu.dma_semaphore, #tpu.memory_space<semaphore_mem>>)
      %dma_wait3A_74 = arith.constant 0 : i32
      %dma_wait3A_75 = tpu.memref_slice %arg6[%arg0, %mul3A_0, %dma_wait3A_74] : memref<2x5120x128xf32, #tpu.memory_space<hbm>> -> memref<1x320x128xf32, #tpu.memory_space<hbm>>
      %dma_wait3A_76 = tpu.memref_squeeze %dma_wait3A_75 : memref<1x320x128xf32, #tpu.memory_space<hbm>> -> memref<320x128xf32, #tpu.memory_space<hbm>>
      %dma_wait3A_77 = arith.constant 0 : i32
      %dma_wait3A_78 = tpu.memref_slice %arg12[%mul3A_0, %dma_wait3A_77] : memref<5128x128xf32, #tpu.memory_space<vmem_shared>> -> memref<320x128xf32, #tpu.memory_space<vmem_shared>>
      tpu.wait_dma2 semaphore(%run_scoped3A_68 : memref<!tpu.dma_semaphore, #tpu.memory_space<semaphore_mem>>) src(%dma_wait3A_78 : memref<320x128xf32, #tpu.memory_space<vmem_shared>>) dst(%dma_wait3A_76 : memref<320x128xf32, #tpu.memory_space<hbm>>)
      tpu.yield
    }) : () -> ()
    return
  }
}

#map = affine_map<(d0, d1) -> (0, 0)>
#map1 = affine_map<(d0, d1) -> (0, 0, 0)>
#map2 = affine_map<(d0, d1) -> (0, 0, 0, 0)>
module attributes {stable_mosaic.version = 14 : i64} {
  func.func @gcn_sc_agg_d16(%arg0: i32, %arg1: i32, %arg2: memref<10240x16xf32, #tpu.memory_space<hbm>>, %arg3: memref<16x158x128xi32, #tpu.memory_space<hbm>>, %arg4: memref<2x16x158x128xi32, #tpu.memory_space<hbm>>, %arg5: memref<320x16xf32, #tpu.memory_space<hbm>>, %arg6: memref<2x5120x16xf32, #tpu.memory_space<hbm>>, %arg7: memref<158x128xi32, #tpu.memory_space<vmem>>, %arg8: memref<158x128xi32, #tpu.memory_space<vmem>>, %arg9: memref<2x128x16xf32, #tpu.memory_space<vmem>>, %arg10: memref<2x!tpu.dma_semaphore, #tpu.memory_space<semaphore_mem>>, %arg11: memref<2x!tpu.dma_semaphore, #tpu.memory_space<semaphore_mem>>, %arg12: memref<5128x16xf32, #tpu.memory_space<vmem_shared>>) attributes {dimension_semantics = [#tpu.dimension_semantics<core_parallel>, #tpu.dimension_semantics<subcore_parallel>], iteration_bounds = array<i64: 2, 16>, scalar_prefetch = 0 : i64, scratch_operands = 6 : i64, tpu.core_type = #tpu.core_type<sc_vector_subcore>, window_params = [{transform_indices = #map}, {transform_indices = #map1}, {transform_indices = #map2}, {transform_indices = #map}, {transform_indices = #map1}]} {
    %mul3A = arith.constant 320 : i32
    %mul3A_0 = arith.muli %arg1, %mul3A : i32
    "tpu.region"() ({
      %run_scoped3A_68 = tpu.sem_alloc : memref<!tpu.dma_semaphore, #tpu.memory_space<semaphore_mem>>
      %dma_start3A_69 = arith.constant 0 : i32
      %dma_start3A_70 = tpu.memref_slice %arg12[%mul3A_0, %dma_start3A_69] : memref<5128x16xf32, #tpu.memory_space<vmem_shared>> -> memref<320x16xf32, #tpu.memory_space<vmem_shared>>
      tpu.enqueue_dma source(%arg5 : memref<320x16xf32, #tpu.memory_space<hbm>>) target(%dma_start3A_70 : memref<320x16xf32, #tpu.memory_space<vmem_shared>>) target_semaphore(%run_scoped3A_68 : memref<!tpu.dma_semaphore, #tpu.memory_space<semaphore_mem>>)
      %dma_wait3A_71 = arith.constant 0 : i32
      %dma_wait3A_72 = tpu.memref_slice %arg12[%mul3A_0, %dma_wait3A_71] : memref<5128x16xf32, #tpu.memory_space<vmem_shared>> -> memref<320x16xf32, #tpu.memory_space<vmem_shared>>
      tpu.wait_dma2 semaphore(%run_scoped3A_68 : memref<!tpu.dma_semaphore, #tpu.memory_space<semaphore_mem>>) src(%arg5 : memref<320x16xf32, #tpu.memory_space<hbm>>) dst(%dma_wait3A_72 : memref<320x16xf32, #tpu.memory_space<vmem_shared>>)
      tpu.yield
    }) : () -> ()
    "tpu.region"() ({
      %run_scoped3A_68 = tpu.sem_alloc : memref<!tpu.dma_semaphore, #tpu.memory_space<semaphore_mem>>
      %dma_start3A_69 = arith.constant 0 : i32
      %dma_start3A_70 = arith.constant 0 : i32
      %dma_start3A_71 = tpu.memref_slice %arg3[%arg1, %dma_start3A_69, %dma_start3A_70] : memref<16x158x128xi32, #tpu.memory_space<hbm>> -> memref<1x158x128xi32, #tpu.memory_space<hbm>>
      %dma_start3A_72 = tpu.memref_squeeze %dma_start3A_71 : memref<1x158x128xi32, #tpu.memory_space<hbm>> -> memref<158x128xi32, #tpu.memory_space<hbm>>
      %dma_start3A_73 = arith.constant 0 : i32
      %dma_start3A_74 = arith.constant 0 : i32
      %dma_start3A_75 = tpu.memref_slice %arg3[%arg1, %dma_start3A_73, %dma_start3A_74] : memref<16x158x128xi32, #tpu.memory_space<hbm>> -> memref<1x158x128xi32, #tpu.memory_space<hbm>>
      %dma_start3A_76 = tpu.memref_squeeze %dma_start3A_75 : memref<1x158x128xi32, #tpu.memory_space<hbm>> -> memref<158x128xi32, #tpu.memory_space<hbm>>
      tpu.enqueue_dma source(%dma_start3A_76 : memref<158x128xi32, #tpu.memory_space<hbm>>) target(%arg7 : memref<158x128xi32, #tpu.memory_space<vmem>>) target_semaphore(%run_scoped3A_68 : memref<!tpu.dma_semaphore, #tpu.memory_space<semaphore_mem>>)
      %dma_wait3A_77 = arith.constant 0 : i32
      %dma_wait3A_78 = arith.constant 0 : i32
      %dma_wait3A_79 = tpu.memref_slice %arg3[%arg1, %dma_wait3A_77, %dma_wait3A_78] : memref<16x158x128xi32, #tpu.memory_space<hbm>> -> memref<1x158x128xi32, #tpu.memory_space<hbm>>
      %dma_wait3A_80 = tpu.memref_squeeze %dma_wait3A_79 : memref<1x158x128xi32, #tpu.memory_space<hbm>> -> memref<158x128xi32, #tpu.memory_space<hbm>>
      %dma_wait3A_81 = arith.constant 0 : i32
      %dma_wait3A_82 = arith.constant 0 : i32
      %dma_wait3A_83 = tpu.memref_slice %arg3[%arg1, %dma_wait3A_81, %dma_wait3A_82] : memref<16x158x128xi32, #tpu.memory_space<hbm>> -> memref<1x158x128xi32, #tpu.memory_space<hbm>>
      %dma_wait3A_84 = tpu.memref_squeeze %dma_wait3A_83 : memref<1x158x128xi32, #tpu.memory_space<hbm>> -> memref<158x128xi32, #tpu.memory_space<hbm>>
      tpu.wait_dma2 semaphore(%run_scoped3A_68 : memref<!tpu.dma_semaphore, #tpu.memory_space<semaphore_mem>>) src(%dma_wait3A_84 : memref<158x128xi32, #tpu.memory_space<hbm>>) dst(%arg7 : memref<158x128xi32, #tpu.memory_space<vmem>>)
      tpu.yield
    }) : () -> ()
    "tpu.region"() ({
      %run_scoped3A_68 = tpu.sem_alloc : memref<!tpu.dma_semaphore, #tpu.memory_space<semaphore_mem>>
      %dma_start3A_69 = arith.constant 0 : i32
      %dma_start3A_70 = arith.constant 0 : i32
      %dma_start3A_71 = tpu.memref_slice %arg4[%arg0, %arg1, %dma_start3A_69, %dma_start3A_70] : memref<2x16x158x128xi32, #tpu.memory_space<hbm>> -> memref<1x1x158x128xi32, #tpu.memory_space<hbm>>
      %dma_start3A_72 = tpu.memref_squeeze %dma_start3A_71 : memref<1x1x158x128xi32, #tpu.memory_space<hbm>> -> memref<158x128xi32, #tpu.memory_space<hbm>>
      %dma_start3A_73 = arith.constant 0 : i32
      %dma_start3A_74 = arith.constant 0 : i32
      %dma_start3A_75 = tpu.memref_slice %arg4[%arg0, %arg1, %dma_start3A_73, %dma_start3A_74] : memref<2x16x158x128xi32, #tpu.memory_space<hbm>> -> memref<1x1x158x128xi32, #tpu.memory_space<hbm>>
      %dma_start3A_76 = tpu.memref_squeeze %dma_start3A_75 : memref<1x1x158x128xi32, #tpu.memory_space<hbm>> -> memref<158x128xi32, #tpu.memory_space<hbm>>
      tpu.enqueue_dma source(%dma_start3A_76 : memref<158x128xi32, #tpu.memory_space<hbm>>) target(%arg8 : memref<158x128xi32, #tpu.memory_space<vmem>>) target_semaphore(%run_scoped3A_68 : memref<!tpu.dma_semaphore, #tpu.memory_space<semaphore_mem>>)
      %dma_wait3A_77 = arith.constant 0 : i32
      %dma_wait3A_78 = arith.constant 0 : i32
      %dma_wait3A_79 = tpu.memref_slice %arg4[%arg0, %arg1, %dma_wait3A_77, %dma_wait3A_78] : memref<2x16x158x128xi32, #tpu.memory_space<hbm>> -> memref<1x1x158x128xi32, #tpu.memory_space<hbm>>
      %dma_wait3A_80 = tpu.memref_squeeze %dma_wait3A_79 : memref<1x1x158x128xi32, #tpu.memory_space<hbm>> -> memref<158x128xi32, #tpu.memory_space<hbm>>
      %dma_wait3A_81 = arith.constant 0 : i32
      %dma_wait3A_82 = arith.constant 0 : i32
      %dma_wait3A_83 = tpu.memref_slice %arg4[%arg0, %arg1, %dma_wait3A_81, %dma_wait3A_82] : memref<2x16x158x128xi32, #tpu.memory_space<hbm>> -> memref<1x1x158x128xi32, #tpu.memory_space<hbm>>
      %dma_wait3A_84 = tpu.memref_squeeze %dma_wait3A_83 : memref<1x1x158x128xi32, #tpu.memory_space<hbm>> -> memref<158x128xi32, #tpu.memory_space<hbm>>
      tpu.wait_dma2 semaphore(%run_scoped3A_68 : memref<!tpu.dma_semaphore, #tpu.memory_space<semaphore_mem>>) src(%dma_wait3A_84 : memref<158x128xi32, #tpu.memory_space<hbm>>) dst(%arg8 : memref<158x128xi32, #tpu.memory_space<vmem>>)
      tpu.yield
    }) : () -> ()
    %barrier3A = arith.constant 0 : index
    tpu.barrier barrier_id(%barrier3A)
    %dma_start3A = arith.constant 0 : i32
    %dma_start3A_1 = arith.constant 0 : i32
    %dma_start3A_2 = arith.constant 0 : i32
    %dma_start3A_3 = arith.constant 0 : i32
    %dma_start3A_4 = arith.constant 0 : i32
    %dma_start3A_5 = tpu.memref_slice %arg9[%dma_start3A_1, %dma_start3A_3, %dma_start3A_4] : memref<2x128x16xf32, #tpu.memory_space<vmem>> -> memref<1x128x16xf32, #tpu.memory_space<vmem>>
    %dma_start3A_6 = tpu.memref_squeeze %dma_start3A_5 : memref<1x128x16xf32, #tpu.memory_space<vmem>> -> memref<128x16xf32, #tpu.memory_space<vmem>>
    %dma_start3A_7 = arith.constant 0 : i32
    %dma_start3A_8 = tpu.memref_slice %arg7[%dma_start3A, %dma_start3A_7] : memref<158x128xi32, #tpu.memory_space<vmem>> -> memref<1x128xi32, #tpu.memory_space<vmem>>
    %dma_start3A_9 = tpu.memref_squeeze %dma_start3A_8 : memref<1x128xi32, #tpu.memory_space<vmem>> -> memref<128xi32, #tpu.memory_space<vmem>>
    %dma_start3A_10 = arith.constant 0 : i32
    %dma_start3A_11 = arith.constant 0 : i32
    %dma_start3A_12 = tpu.memref_slice %arg2[%dma_start3A_10, %dma_start3A_11] : memref<10240x16xf32, #tpu.memory_space<hbm>> -> memref<10240x16xf32, #tpu.memory_space<hbm>>
    %dma_start3A_13 = tpu.memref_slice %arg10[%dma_start3A_2] : memref<2x!tpu.dma_semaphore, #tpu.memory_space<semaphore_mem>> -> memref<1x!tpu.dma_semaphore, #tpu.memory_space<semaphore_mem>>
    %dma_start3A_14 = tpu.memref_squeeze %dma_start3A_13 : memref<1x!tpu.dma_semaphore, #tpu.memory_space<semaphore_mem>> -> memref<!tpu.dma_semaphore, #tpu.memory_space<semaphore_mem>>
    tpu.enqueue_indirect_dma source(%dma_start3A_12 : memref<10240x16xf32, #tpu.memory_space<hbm>>) target(%dma_start3A_6 : memref<128x16xf32, #tpu.memory_space<vmem>>) offsets(%dma_start3A_9 : memref<128xi32, #tpu.memory_space<vmem>>) semaphore(%dma_start3A_14 : memref<!tpu.dma_semaphore, #tpu.memory_space<semaphore_mem>>)
    %dma_start3A_15 = arith.constant 1 : i32
    %dma_start3A_16 = arith.constant 1 : i32
    %dma_start3A_17 = arith.constant 1 : i32
    %dma_start3A_18 = arith.constant 0 : i32
    %dma_start3A_19 = arith.constant 0 : i32
    %dma_start3A_20 = tpu.memref_slice %arg9[%dma_start3A_16, %dma_start3A_18, %dma_start3A_19] : memref<2x128x16xf32, #tpu.memory_space<vmem>> -> memref<1x128x16xf32, #tpu.memory_space<vmem>>
    %dma_start3A_21 = tpu.memref_squeeze %dma_start3A_20 : memref<1x128x16xf32, #tpu.memory_space<vmem>> -> memref<128x16xf32, #tpu.memory_space<vmem>>
    %dma_start3A_22 = arith.constant 0 : i32
    %dma_start3A_23 = tpu.memref_slice %arg7[%dma_start3A_15, %dma_start3A_22] : memref<158x128xi32, #tpu.memory_space<vmem>> -> memref<1x128xi32, #tpu.memory_space<vmem>>
    %dma_start3A_24 = tpu.memref_squeeze %dma_start3A_23 : memref<1x128xi32, #tpu.memory_space<vmem>> -> memref<128xi32, #tpu.memory_space<vmem>>
    %dma_start3A_25 = arith.constant 0 : i32
    %dma_start3A_26 = arith.constant 0 : i32
    %dma_start3A_27 = tpu.memref_slice %arg2[%dma_start3A_25, %dma_start3A_26] : memref<10240x16xf32, #tpu.memory_space<hbm>> -> memref<10240x16xf32, #tpu.memory_space<hbm>>
    %dma_start3A_28 = tpu.memref_slice %arg10[%dma_start3A_17] : memref<2x!tpu.dma_semaphore, #tpu.memory_space<semaphore_mem>> -> memref<1x!tpu.dma_semaphore, #tpu.memory_space<semaphore_mem>>
    %dma_start3A_29 = tpu.memref_squeeze %dma_start3A_28 : memref<1x!tpu.dma_semaphore, #tpu.memory_space<semaphore_mem>> -> memref<!tpu.dma_semaphore, #tpu.memory_space<semaphore_mem>>
    tpu.enqueue_indirect_dma source(%dma_start3A_27 : memref<10240x16xf32, #tpu.memory_space<hbm>>) target(%dma_start3A_21 : memref<128x16xf32, #tpu.memory_space<vmem>>) offsets(%dma_start3A_24 : memref<128xi32, #tpu.memory_space<vmem>>) semaphore(%dma_start3A_29 : memref<!tpu.dma_semaphore, #tpu.memory_space<semaphore_mem>>)
    %scan3A = arith.constant 0 : i32
    %scan3A_30 = arith.constant 0 : i32
    %scan3A_31 = arith.constant 78 : i32
    %scan3A_32 = arith.addi %scan3A_30, %scan3A_31 : i32
    %scan3A_33 = arith.constant 1 : i32
    scf.for %scan3A_68 = %scan3A_30 to %scan3A_32 step %scan3A_33  : i32 {
      %mul3A_69 = arith.constant 2 : i32
      %mul3A_70 = arith.muli %mul3A_69, %scan3A_68 : i32
      %add3A = arith.constant 0 : i32
      %add3A_71 = arith.addi %mul3A_70, %add3A : i32
      %dma_wait3A_72 = arith.constant 0 : i32
      %dma_wait3A_73 = arith.constant 0 : i32
      %dma_wait3A_74 = arith.constant 0 : i32
      %dma_wait3A_75 = arith.constant 0 : i32
      %dma_wait3A_76 = tpu.memref_slice %arg9[%dma_wait3A_72, %dma_wait3A_74, %dma_wait3A_75] : memref<2x128x16xf32, #tpu.memory_space<vmem>> -> memref<1x128x16xf32, #tpu.memory_space<vmem>>
      %dma_wait3A_77 = tpu.memref_squeeze %dma_wait3A_76 : memref<1x128x16xf32, #tpu.memory_space<vmem>> -> memref<128x16xf32, #tpu.memory_space<vmem>>
      %dma_wait3A_78 = arith.constant 0 : i32
      %dma_wait3A_79 = tpu.memref_slice %arg7[%add3A_71, %dma_wait3A_78] : memref<158x128xi32, #tpu.memory_space<vmem>> -> memref<1x128xi32, #tpu.memory_space<vmem>>
      %dma_wait3A_80 = tpu.memref_squeeze %dma_wait3A_79 : memref<1x128xi32, #tpu.memory_space<vmem>> -> memref<128xi32, #tpu.memory_space<vmem>>
      %dma_wait3A_81 = arith.constant 0 : i32
      %dma_wait3A_82 = arith.constant 0 : i32
      %dma_wait3A_83 = tpu.memref_slice %arg2[%dma_wait3A_81, %dma_wait3A_82] : memref<10240x16xf32, #tpu.memory_space<hbm>> -> memref<10240x16xf32, #tpu.memory_space<hbm>>
      %dma_wait3A_84 = tpu.memref_slice %arg10[%dma_wait3A_73] : memref<2x!tpu.dma_semaphore, #tpu.memory_space<semaphore_mem>> -> memref<1x!tpu.dma_semaphore, #tpu.memory_space<semaphore_mem>>
      %dma_wait3A_85 = tpu.memref_squeeze %dma_wait3A_84 : memref<1x!tpu.dma_semaphore, #tpu.memory_space<semaphore_mem>> -> memref<!tpu.dma_semaphore, #tpu.memory_space<semaphore_mem>>
      tpu.wait_indirect_dma semaphore(%dma_wait3A_85 : memref<!tpu.dma_semaphore, #tpu.memory_space<semaphore_mem>>) src(%dma_wait3A_83 : memref<10240x16xf32, #tpu.memory_space<hbm>>) dst(%dma_wait3A_77 : memref<128x16xf32, #tpu.memory_space<vmem>>)
      %dma_start3A_86 = arith.constant 0 : i32
      %dma_start3A_87 = arith.constant 0 : i32
      %dma_start3A_88 = arith.constant 0 : i32
      %dma_start3A_89 = arith.constant 0 : i32
      %dma_start3A_90 = tpu.memref_slice %arg9[%dma_start3A_86, %dma_start3A_88, %dma_start3A_89] : memref<2x128x16xf32, #tpu.memory_space<vmem>> -> memref<1x128x16xf32, #tpu.memory_space<vmem>>
      %dma_start3A_91 = tpu.memref_squeeze %dma_start3A_90 : memref<1x128x16xf32, #tpu.memory_space<vmem>> -> memref<128x16xf32, #tpu.memory_space<vmem>>
      %dma_start3A_92 = arith.constant 0 : i32
      %dma_start3A_93 = tpu.memref_slice %arg8[%add3A_71, %dma_start3A_92] : memref<158x128xi32, #tpu.memory_space<vmem>> -> memref<1x128xi32, #tpu.memory_space<vmem>>
      %dma_start3A_94 = tpu.memref_squeeze %dma_start3A_93 : memref<1x128xi32, #tpu.memory_space<vmem>> -> memref<128xi32, #tpu.memory_space<vmem>>
      %dma_start3A_95 = arith.constant 0 : i32
      %dma_start3A_96 = arith.constant 0 : i32
      %dma_start3A_97 = tpu.memref_slice %arg12[%dma_start3A_95, %dma_start3A_96] : memref<5128x16xf32, #tpu.memory_space<vmem_shared>> -> memref<5128x16xf32, #tpu.memory_space<vmem_shared>>
      %dma_start3A_98 = tpu.memref_slice %arg11[%dma_start3A_87] : memref<2x!tpu.dma_semaphore, #tpu.memory_space<semaphore_mem>> -> memref<1x!tpu.dma_semaphore, #tpu.memory_space<semaphore_mem>>
      %dma_start3A_99 = tpu.memref_squeeze %dma_start3A_98 : memref<1x!tpu.dma_semaphore, #tpu.memory_space<semaphore_mem>> -> memref<!tpu.dma_semaphore, #tpu.memory_space<semaphore_mem>>
      tpu.enqueue_indirect_dma source(%dma_start3A_91 : memref<128x16xf32, #tpu.memory_space<vmem>>) target(%dma_start3A_97 : memref<5128x16xf32, #tpu.memory_space<vmem_shared>>) offsets(%dma_start3A_94 : memref<128xi32, #tpu.memory_space<vmem>>) semaphore(%dma_start3A_99 : memref<!tpu.dma_semaphore, #tpu.memory_space<semaphore_mem>>) {add = true}
      %dma_wait3A_100 = arith.constant 0 : i32
      %dma_wait3A_101 = arith.constant 0 : i32
      %dma_wait3A_102 = arith.constant 0 : i32
      %dma_wait3A_103 = arith.constant 0 : i32
      %dma_wait3A_104 = tpu.memref_slice %arg9[%dma_wait3A_100, %dma_wait3A_102, %dma_wait3A_103] : memref<2x128x16xf32, #tpu.memory_space<vmem>> -> memref<1x128x16xf32, #tpu.memory_space<vmem>>
      %dma_wait3A_105 = tpu.memref_squeeze %dma_wait3A_104 : memref<1x128x16xf32, #tpu.memory_space<vmem>> -> memref<128x16xf32, #tpu.memory_space<vmem>>
      %dma_wait3A_106 = arith.constant 0 : i32
      %dma_wait3A_107 = tpu.memref_slice %arg8[%add3A_71, %dma_wait3A_106] : memref<158x128xi32, #tpu.memory_space<vmem>> -> memref<1x128xi32, #tpu.memory_space<vmem>>
      %dma_wait3A_108 = tpu.memref_squeeze %dma_wait3A_107 : memref<1x128xi32, #tpu.memory_space<vmem>> -> memref<128xi32, #tpu.memory_space<vmem>>
      %dma_wait3A_109 = arith.constant 0 : i32
      %dma_wait3A_110 = arith.constant 0 : i32
      %dma_wait3A_111 = tpu.memref_slice %arg12[%dma_wait3A_109, %dma_wait3A_110] : memref<5128x16xf32, #tpu.memory_space<vmem_shared>> -> memref<5128x16xf32, #tpu.memory_space<vmem_shared>>
      %dma_wait3A_112 = tpu.memref_slice %arg11[%dma_wait3A_101] : memref<2x!tpu.dma_semaphore, #tpu.memory_space<semaphore_mem>> -> memref<1x!tpu.dma_semaphore, #tpu.memory_space<semaphore_mem>>
      %dma_wait3A_113 = tpu.memref_squeeze %dma_wait3A_112 : memref<1x!tpu.dma_semaphore, #tpu.memory_space<semaphore_mem>> -> memref<!tpu.dma_semaphore, #tpu.memory_space<semaphore_mem>>
      tpu.wait_indirect_dma semaphore(%dma_wait3A_113 : memref<!tpu.dma_semaphore, #tpu.memory_space<semaphore_mem>>) src(%dma_wait3A_105 : memref<128x16xf32, #tpu.memory_space<vmem>>) dst(%dma_wait3A_111 : memref<5128x16xf32, #tpu.memory_space<vmem_shared>>)
      %add3A_114 = arith.constant 2 : i32
      %add3A_115 = arith.addi %add3A_71, %add3A_114 : i32
      %dma_start3A_116 = arith.constant 0 : i32
      %dma_start3A_117 = arith.constant 0 : i32
      %dma_start3A_118 = arith.constant 0 : i32
      %dma_start3A_119 = arith.constant 0 : i32
      %dma_start3A_120 = tpu.memref_slice %arg9[%dma_start3A_116, %dma_start3A_118, %dma_start3A_119] : memref<2x128x16xf32, #tpu.memory_space<vmem>> -> memref<1x128x16xf32, #tpu.memory_space<vmem>>
      %dma_start3A_121 = tpu.memref_squeeze %dma_start3A_120 : memref<1x128x16xf32, #tpu.memory_space<vmem>> -> memref<128x16xf32, #tpu.memory_space<vmem>>
      %dma_start3A_122 = arith.constant 0 : i32
      %dma_start3A_123 = tpu.memref_slice %arg7[%add3A_115, %dma_start3A_122] : memref<158x128xi32, #tpu.memory_space<vmem>> -> memref<1x128xi32, #tpu.memory_space<vmem>>
      %dma_start3A_124 = tpu.memref_squeeze %dma_start3A_123 : memref<1x128xi32, #tpu.memory_space<vmem>> -> memref<128xi32, #tpu.memory_space<vmem>>
      %dma_start3A_125 = arith.constant 0 : i32
      %dma_start3A_126 = arith.constant 0 : i32
      %dma_start3A_127 = tpu.memref_slice %arg2[%dma_start3A_125, %dma_start3A_126] : memref<10240x16xf32, #tpu.memory_space<hbm>> -> memref<10240x16xf32, #tpu.memory_space<hbm>>
      %dma_start3A_128 = tpu.memref_slice %arg10[%dma_start3A_117] : memref<2x!tpu.dma_semaphore, #tpu.memory_space<semaphore_mem>> -> memref<1x!tpu.dma_semaphore, #tpu.memory_space<semaphore_mem>>
      %dma_start3A_129 = tpu.memref_squeeze %dma_start3A_128 : memref<1x!tpu.dma_semaphore, #tpu.memory_space<semaphore_mem>> -> memref<!tpu.dma_semaphore, #tpu.memory_space<semaphore_mem>>
      tpu.enqueue_indirect_dma source(%dma_start3A_127 : memref<10240x16xf32, #tpu.memory_space<hbm>>) target(%dma_start3A_121 : memref<128x16xf32, #tpu.memory_space<vmem>>) offsets(%dma_start3A_124 : memref<128xi32, #tpu.memory_space<vmem>>) semaphore(%dma_start3A_129 : memref<!tpu.dma_semaphore, #tpu.memory_space<semaphore_mem>>)
      %mul3A_130 = arith.constant 2 : i32
      %mul3A_131 = arith.muli %mul3A_130, %scan3A_68 : i32
      %add3A_132 = arith.constant 1 : i32
      %add3A_133 = arith.addi %mul3A_131, %add3A_132 : i32
      %dma_wait3A_134 = arith.constant 1 : i32
      %dma_wait3A_135 = arith.constant 1 : i32
      %dma_wait3A_136 = arith.constant 0 : i32
      %dma_wait3A_137 = arith.constant 0 : i32
      %dma_wait3A_138 = tpu.memref_slice %arg9[%dma_wait3A_134, %dma_wait3A_136, %dma_wait3A_137] : memref<2x128x16xf32, #tpu.memory_space<vmem>> -> memref<1x128x16xf32, #tpu.memory_space<vmem>>
      %dma_wait3A_139 = tpu.memref_squeeze %dma_wait3A_138 : memref<1x128x16xf32, #tpu.memory_space<vmem>> -> memref<128x16xf32, #tpu.memory_space<vmem>>
      %dma_wait3A_140 = arith.constant 0 : i32
      %dma_wait3A_141 = tpu.memref_slice %arg7[%add3A_133, %dma_wait3A_140] : memref<158x128xi32, #tpu.memory_space<vmem>> -> memref<1x128xi32, #tpu.memory_space<vmem>>
      %dma_wait3A_142 = tpu.memref_squeeze %dma_wait3A_141 : memref<1x128xi32, #tpu.memory_space<vmem>> -> memref<128xi32, #tpu.memory_space<vmem>>
      %dma_wait3A_143 = arith.constant 0 : i32
      %dma_wait3A_144 = arith.constant 0 : i32
      %dma_wait3A_145 = tpu.memref_slice %arg2[%dma_wait3A_143, %dma_wait3A_144] : memref<10240x16xf32, #tpu.memory_space<hbm>> -> memref<10240x16xf32, #tpu.memory_space<hbm>>
      %dma_wait3A_146 = tpu.memref_slice %arg10[%dma_wait3A_135] : memref<2x!tpu.dma_semaphore, #tpu.memory_space<semaphore_mem>> -> memref<1x!tpu.dma_semaphore, #tpu.memory_space<semaphore_mem>>
      %dma_wait3A_147 = tpu.memref_squeeze %dma_wait3A_146 : memref<1x!tpu.dma_semaphore, #tpu.memory_space<semaphore_mem>> -> memref<!tpu.dma_semaphore, #tpu.memory_space<semaphore_mem>>
      tpu.wait_indirect_dma semaphore(%dma_wait3A_147 : memref<!tpu.dma_semaphore, #tpu.memory_space<semaphore_mem>>) src(%dma_wait3A_145 : memref<10240x16xf32, #tpu.memory_space<hbm>>) dst(%dma_wait3A_139 : memref<128x16xf32, #tpu.memory_space<vmem>>)
      %dma_start3A_148 = arith.constant 1 : i32
      %dma_start3A_149 = arith.constant 1 : i32
      %dma_start3A_150 = arith.constant 0 : i32
      %dma_start3A_151 = arith.constant 0 : i32
      %dma_start3A_152 = tpu.memref_slice %arg9[%dma_start3A_148, %dma_start3A_150, %dma_start3A_151] : memref<2x128x16xf32, #tpu.memory_space<vmem>> -> memref<1x128x16xf32, #tpu.memory_space<vmem>>
      %dma_start3A_153 = tpu.memref_squeeze %dma_start3A_152 : memref<1x128x16xf32, #tpu.memory_space<vmem>> -> memref<128x16xf32, #tpu.memory_space<vmem>>
      %dma_start3A_154 = arith.constant 0 : i32
      %dma_start3A_155 = tpu.memref_slice %arg8[%add3A_133, %dma_start3A_154] : memref<158x128xi32, #tpu.memory_space<vmem>> -> memref<1x128xi32, #tpu.memory_space<vmem>>
      %dma_start3A_156 = tpu.memref_squeeze %dma_start3A_155 : memref<1x128xi32, #tpu.memory_space<vmem>> -> memref<128xi32, #tpu.memory_space<vmem>>
      %dma_start3A_157 = arith.constant 0 : i32
      %dma_start3A_158 = arith.constant 0 : i32
      %dma_start3A_159 = tpu.memref_slice %arg12[%dma_start3A_157, %dma_start3A_158] : memref<5128x16xf32, #tpu.memory_space<vmem_shared>> -> memref<5128x16xf32, #tpu.memory_space<vmem_shared>>
      %dma_start3A_160 = tpu.memref_slice %arg11[%dma_start3A_149] : memref<2x!tpu.dma_semaphore, #tpu.memory_space<semaphore_mem>> -> memref<1x!tpu.dma_semaphore, #tpu.memory_space<semaphore_mem>>
      %dma_start3A_161 = tpu.memref_squeeze %dma_start3A_160 : memref<1x!tpu.dma_semaphore, #tpu.memory_space<semaphore_mem>> -> memref<!tpu.dma_semaphore, #tpu.memory_space<semaphore_mem>>
      tpu.enqueue_indirect_dma source(%dma_start3A_153 : memref<128x16xf32, #tpu.memory_space<vmem>>) target(%dma_start3A_159 : memref<5128x16xf32, #tpu.memory_space<vmem_shared>>) offsets(%dma_start3A_156 : memref<128xi32, #tpu.memory_space<vmem>>) semaphore(%dma_start3A_161 : memref<!tpu.dma_semaphore, #tpu.memory_space<semaphore_mem>>) {add = true}
      %dma_wait3A_162 = arith.constant 1 : i32
      %dma_wait3A_163 = arith.constant 1 : i32
      %dma_wait3A_164 = arith.constant 0 : i32
      %dma_wait3A_165 = arith.constant 0 : i32
      %dma_wait3A_166 = tpu.memref_slice %arg9[%dma_wait3A_162, %dma_wait3A_164, %dma_wait3A_165] : memref<2x128x16xf32, #tpu.memory_space<vmem>> -> memref<1x128x16xf32, #tpu.memory_space<vmem>>
      %dma_wait3A_167 = tpu.memref_squeeze %dma_wait3A_166 : memref<1x128x16xf32, #tpu.memory_space<vmem>> -> memref<128x16xf32, #tpu.memory_space<vmem>>
      %dma_wait3A_168 = arith.constant 0 : i32
      %dma_wait3A_169 = tpu.memref_slice %arg8[%add3A_133, %dma_wait3A_168] : memref<158x128xi32, #tpu.memory_space<vmem>> -> memref<1x128xi32, #tpu.memory_space<vmem>>
      %dma_wait3A_170 = tpu.memref_squeeze %dma_wait3A_169 : memref<1x128xi32, #tpu.memory_space<vmem>> -> memref<128xi32, #tpu.memory_space<vmem>>
      %dma_wait3A_171 = arith.constant 0 : i32
      %dma_wait3A_172 = arith.constant 0 : i32
      %dma_wait3A_173 = tpu.memref_slice %arg12[%dma_wait3A_171, %dma_wait3A_172] : memref<5128x16xf32, #tpu.memory_space<vmem_shared>> -> memref<5128x16xf32, #tpu.memory_space<vmem_shared>>
      %dma_wait3A_174 = tpu.memref_slice %arg11[%dma_wait3A_163] : memref<2x!tpu.dma_semaphore, #tpu.memory_space<semaphore_mem>> -> memref<1x!tpu.dma_semaphore, #tpu.memory_space<semaphore_mem>>
      %dma_wait3A_175 = tpu.memref_squeeze %dma_wait3A_174 : memref<1x!tpu.dma_semaphore, #tpu.memory_space<semaphore_mem>> -> memref<!tpu.dma_semaphore, #tpu.memory_space<semaphore_mem>>
      tpu.wait_indirect_dma semaphore(%dma_wait3A_175 : memref<!tpu.dma_semaphore, #tpu.memory_space<semaphore_mem>>) src(%dma_wait3A_167 : memref<128x16xf32, #tpu.memory_space<vmem>>) dst(%dma_wait3A_173 : memref<5128x16xf32, #tpu.memory_space<vmem_shared>>)
      %add3A_176 = arith.constant 2 : i32
      %add3A_177 = arith.addi %add3A_133, %add3A_176 : i32
      %dma_start3A_178 = arith.constant 1 : i32
      %dma_start3A_179 = arith.constant 1 : i32
      %dma_start3A_180 = arith.constant 0 : i32
      %dma_start3A_181 = arith.constant 0 : i32
      %dma_start3A_182 = tpu.memref_slice %arg9[%dma_start3A_178, %dma_start3A_180, %dma_start3A_181] : memref<2x128x16xf32, #tpu.memory_space<vmem>> -> memref<1x128x16xf32, #tpu.memory_space<vmem>>
      %dma_start3A_183 = tpu.memref_squeeze %dma_start3A_182 : memref<1x128x16xf32, #tpu.memory_space<vmem>> -> memref<128x16xf32, #tpu.memory_space<vmem>>
      %dma_start3A_184 = arith.constant 0 : i32
      %dma_start3A_185 = tpu.memref_slice %arg7[%add3A_177, %dma_start3A_184] : memref<158x128xi32, #tpu.memory_space<vmem>> -> memref<1x128xi32, #tpu.memory_space<vmem>>
      %dma_start3A_186 = tpu.memref_squeeze %dma_start3A_185 : memref<1x128xi32, #tpu.memory_space<vmem>> -> memref<128xi32, #tpu.memory_space<vmem>>
      %dma_start3A_187 = arith.constant 0 : i32
      %dma_start3A_188 = arith.constant 0 : i32
      %dma_start3A_189 = tpu.memref_slice %arg2[%dma_start3A_187, %dma_start3A_188] : memref<10240x16xf32, #tpu.memory_space<hbm>> -> memref<10240x16xf32, #tpu.memory_space<hbm>>
      %dma_start3A_190 = tpu.memref_slice %arg10[%dma_start3A_179] : memref<2x!tpu.dma_semaphore, #tpu.memory_space<semaphore_mem>> -> memref<1x!tpu.dma_semaphore, #tpu.memory_space<semaphore_mem>>
      %dma_start3A_191 = tpu.memref_squeeze %dma_start3A_190 : memref<1x!tpu.dma_semaphore, #tpu.memory_space<semaphore_mem>> -> memref<!tpu.dma_semaphore, #tpu.memory_space<semaphore_mem>>
      tpu.enqueue_indirect_dma source(%dma_start3A_189 : memref<10240x16xf32, #tpu.memory_space<hbm>>) target(%dma_start3A_183 : memref<128x16xf32, #tpu.memory_space<vmem>>) offsets(%dma_start3A_186 : memref<128xi32, #tpu.memory_space<vmem>>) semaphore(%dma_start3A_191 : memref<!tpu.dma_semaphore, #tpu.memory_space<semaphore_mem>>)
    }
    %scan3A_34 = arith.constant 78 : i32
    %dma_wait3A = arith.constant 156 : i32
    %dma_wait3A_35 = arith.constant 0 : i32
    %dma_wait3A_36 = arith.constant 0 : i32
    %dma_wait3A_37 = arith.constant 0 : i32
    %dma_wait3A_38 = arith.constant 0 : i32
    %dma_wait3A_39 = tpu.memref_slice %arg9[%dma_wait3A_35, %dma_wait3A_37, %dma_wait3A_38] : memref<2x128x16xf32, #tpu.memory_space<vmem>> -> memref<1x128x16xf32, #tpu.memory_space<vmem>>
    %dma_wait3A_40 = tpu.memref_squeeze %dma_wait3A_39 : memref<1x128x16xf32, #tpu.memory_space<vmem>> -> memref<128x16xf32, #tpu.memory_space<vmem>>
    %dma_wait3A_41 = arith.constant 0 : i32
    %dma_wait3A_42 = tpu.memref_slice %arg7[%dma_wait3A, %dma_wait3A_41] : memref<158x128xi32, #tpu.memory_space<vmem>> -> memref<1x128xi32, #tpu.memory_space<vmem>>
    %dma_wait3A_43 = tpu.memref_squeeze %dma_wait3A_42 : memref<1x128xi32, #tpu.memory_space<vmem>> -> memref<128xi32, #tpu.memory_space<vmem>>
    %dma_wait3A_44 = arith.constant 0 : i32
    %dma_wait3A_45 = arith.constant 0 : i32
    %dma_wait3A_46 = tpu.memref_slice %arg2[%dma_wait3A_44, %dma_wait3A_45] : memref<10240x16xf32, #tpu.memory_space<hbm>> -> memref<10240x16xf32, #tpu.memory_space<hbm>>
    %dma_wait3A_47 = tpu.memref_slice %arg10[%dma_wait3A_36] : memref<2x!tpu.dma_semaphore, #tpu.memory_space<semaphore_mem>> -> memref<1x!tpu.dma_semaphore, #tpu.memory_space<semaphore_mem>>
    %dma_wait3A_48 = tpu.memref_squeeze %dma_wait3A_47 : memref<1x!tpu.dma_semaphore, #tpu.memory_space<semaphore_mem>> -> memref<!tpu.dma_semaphore, #tpu.memory_space<semaphore_mem>>
    tpu.wait_indirect_dma semaphore(%dma_wait3A_48 : memref<!tpu.dma_semaphore, #tpu.memory_space<semaphore_mem>>) src(%dma_wait3A_46 : memref<10240x16xf32, #tpu.memory_space<hbm>>) dst(%dma_wait3A_40 : memref<128x16xf32, #tpu.memory_space<vmem>>)
    %run_scoped3A = arith.constant 0 : i32
    %run_scoped3A_49 = arith.constant 156 : i32
    "tpu.region"() ({
      %run_scoped3A_68 = tpu.sem_alloc : memref<!tpu.dma_semaphore, #tpu.memory_space<semaphore_mem>>
      %dma_start3A_69 = arith.constant 0 : i32
      %dma_start3A_70 = arith.constant 0 : i32
      %dma_start3A_71 = tpu.memref_slice %arg9[%run_scoped3A, %dma_start3A_69, %dma_start3A_70] : memref<2x128x16xf32, #tpu.memory_space<vmem>> -> memref<1x128x16xf32, #tpu.memory_space<vmem>>
      %dma_start3A_72 = tpu.memref_squeeze %dma_start3A_71 : memref<1x128x16xf32, #tpu.memory_space<vmem>> -> memref<128x16xf32, #tpu.memory_space<vmem>>
      %dma_start3A_73 = arith.constant 0 : i32
      %dma_start3A_74 = tpu.memref_slice %arg8[%run_scoped3A_49, %dma_start3A_73] : memref<158x128xi32, #tpu.memory_space<vmem>> -> memref<1x128xi32, #tpu.memory_space<vmem>>
      %dma_start3A_75 = tpu.memref_squeeze %dma_start3A_74 : memref<1x128xi32, #tpu.memory_space<vmem>> -> memref<128xi32, #tpu.memory_space<vmem>>
      %dma_start3A_76 = arith.constant 0 : i32
      %dma_start3A_77 = arith.constant 0 : i32
      %dma_start3A_78 = tpu.memref_slice %arg12[%dma_start3A_76, %dma_start3A_77] : memref<5128x16xf32, #tpu.memory_space<vmem_shared>> -> memref<5128x16xf32, #tpu.memory_space<vmem_shared>>
      tpu.enqueue_indirect_dma source(%dma_start3A_72 : memref<128x16xf32, #tpu.memory_space<vmem>>) target(%dma_start3A_78 : memref<5128x16xf32, #tpu.memory_space<vmem_shared>>) offsets(%dma_start3A_75 : memref<128xi32, #tpu.memory_space<vmem>>) semaphore(%run_scoped3A_68 : memref<!tpu.dma_semaphore, #tpu.memory_space<semaphore_mem>>) {add = true}
      %dma_wait3A_79 = arith.constant 0 : i32
      %dma_wait3A_80 = arith.constant 0 : i32
      %dma_wait3A_81 = tpu.memref_slice %arg9[%run_scoped3A, %dma_wait3A_79, %dma_wait3A_80] : memref<2x128x16xf32, #tpu.memory_space<vmem>> -> memref<1x128x16xf32, #tpu.memory_space<vmem>>
      %dma_wait3A_82 = tpu.memref_squeeze %dma_wait3A_81 : memref<1x128x16xf32, #tpu.memory_space<vmem>> -> memref<128x16xf32, #tpu.memory_space<vmem>>
      %dma_wait3A_83 = arith.constant 0 : i32
      %dma_wait3A_84 = tpu.memref_slice %arg8[%run_scoped3A_49, %dma_wait3A_83] : memref<158x128xi32, #tpu.memory_space<vmem>> -> memref<1x128xi32, #tpu.memory_space<vmem>>
      %dma_wait3A_85 = tpu.memref_squeeze %dma_wait3A_84 : memref<1x128xi32, #tpu.memory_space<vmem>> -> memref<128xi32, #tpu.memory_space<vmem>>
      %dma_wait3A_86 = arith.constant 0 : i32
      %dma_wait3A_87 = arith.constant 0 : i32
      %dma_wait3A_88 = tpu.memref_slice %arg12[%dma_wait3A_86, %dma_wait3A_87] : memref<5128x16xf32, #tpu.memory_space<vmem_shared>> -> memref<5128x16xf32, #tpu.memory_space<vmem_shared>>
      tpu.wait_indirect_dma semaphore(%run_scoped3A_68 : memref<!tpu.dma_semaphore, #tpu.memory_space<semaphore_mem>>) src(%dma_wait3A_82 : memref<128x16xf32, #tpu.memory_space<vmem>>) dst(%dma_wait3A_88 : memref<5128x16xf32, #tpu.memory_space<vmem_shared>>)
      tpu.yield
    }) : () -> ()
    %dma_wait3A_50 = arith.constant 157 : i32
    %dma_wait3A_51 = arith.constant 1 : i32
    %dma_wait3A_52 = arith.constant 1 : i32
    %dma_wait3A_53 = arith.constant 0 : i32
    %dma_wait3A_54 = arith.constant 0 : i32
    %dma_wait3A_55 = tpu.memref_slice %arg9[%dma_wait3A_51, %dma_wait3A_53, %dma_wait3A_54] : memref<2x128x16xf32, #tpu.memory_space<vmem>> -> memref<1x128x16xf32, #tpu.memory_space<vmem>>
    %dma_wait3A_56 = tpu.memref_squeeze %dma_wait3A_55 : memref<1x128x16xf32, #tpu.memory_space<vmem>> -> memref<128x16xf32, #tpu.memory_space<vmem>>
    %dma_wait3A_57 = arith.constant 0 : i32
    %dma_wait3A_58 = tpu.memref_slice %arg7[%dma_wait3A_50, %dma_wait3A_57] : memref<158x128xi32, #tpu.memory_space<vmem>> -> memref<1x128xi32, #tpu.memory_space<vmem>>
    %dma_wait3A_59 = tpu.memref_squeeze %dma_wait3A_58 : memref<1x128xi32, #tpu.memory_space<vmem>> -> memref<128xi32, #tpu.memory_space<vmem>>
    %dma_wait3A_60 = arith.constant 0 : i32
    %dma_wait3A_61 = arith.constant 0 : i32
    %dma_wait3A_62 = tpu.memref_slice %arg2[%dma_wait3A_60, %dma_wait3A_61] : memref<10240x16xf32, #tpu.memory_space<hbm>> -> memref<10240x16xf32, #tpu.memory_space<hbm>>
    %dma_wait3A_63 = tpu.memref_slice %arg10[%dma_wait3A_52] : memref<2x!tpu.dma_semaphore, #tpu.memory_space<semaphore_mem>> -> memref<1x!tpu.dma_semaphore, #tpu.memory_space<semaphore_mem>>
    %dma_wait3A_64 = tpu.memref_squeeze %dma_wait3A_63 : memref<1x!tpu.dma_semaphore, #tpu.memory_space<semaphore_mem>> -> memref<!tpu.dma_semaphore, #tpu.memory_space<semaphore_mem>>
    tpu.wait_indirect_dma semaphore(%dma_wait3A_64 : memref<!tpu.dma_semaphore, #tpu.memory_space<semaphore_mem>>) src(%dma_wait3A_62 : memref<10240x16xf32, #tpu.memory_space<hbm>>) dst(%dma_wait3A_56 : memref<128x16xf32, #tpu.memory_space<vmem>>)
    %run_scoped3A_65 = arith.constant 1 : i32
    %run_scoped3A_66 = arith.constant 157 : i32
    "tpu.region"() ({
      %run_scoped3A_68 = tpu.sem_alloc : memref<!tpu.dma_semaphore, #tpu.memory_space<semaphore_mem>>
      %dma_start3A_69 = arith.constant 0 : i32
      %dma_start3A_70 = arith.constant 0 : i32
      %dma_start3A_71 = tpu.memref_slice %arg9[%run_scoped3A_65, %dma_start3A_69, %dma_start3A_70] : memref<2x128x16xf32, #tpu.memory_space<vmem>> -> memref<1x128x16xf32, #tpu.memory_space<vmem>>
      %dma_start3A_72 = tpu.memref_squeeze %dma_start3A_71 : memref<1x128x16xf32, #tpu.memory_space<vmem>> -> memref<128x16xf32, #tpu.memory_space<vmem>>
      %dma_start3A_73 = arith.constant 0 : i32
      %dma_start3A_74 = tpu.memref_slice %arg8[%run_scoped3A_66, %dma_start3A_73] : memref<158x128xi32, #tpu.memory_space<vmem>> -> memref<1x128xi32, #tpu.memory_space<vmem>>
      %dma_start3A_75 = tpu.memref_squeeze %dma_start3A_74 : memref<1x128xi32, #tpu.memory_space<vmem>> -> memref<128xi32, #tpu.memory_space<vmem>>
      %dma_start3A_76 = arith.constant 0 : i32
      %dma_start3A_77 = arith.constant 0 : i32
      %dma_start3A_78 = tpu.memref_slice %arg12[%dma_start3A_76, %dma_start3A_77] : memref<5128x16xf32, #tpu.memory_space<vmem_shared>> -> memref<5128x16xf32, #tpu.memory_space<vmem_shared>>
      tpu.enqueue_indirect_dma source(%dma_start3A_72 : memref<128x16xf32, #tpu.memory_space<vmem>>) target(%dma_start3A_78 : memref<5128x16xf32, #tpu.memory_space<vmem_shared>>) offsets(%dma_start3A_75 : memref<128xi32, #tpu.memory_space<vmem>>) semaphore(%run_scoped3A_68 : memref<!tpu.dma_semaphore, #tpu.memory_space<semaphore_mem>>) {add = true}
      %dma_wait3A_79 = arith.constant 0 : i32
      %dma_wait3A_80 = arith.constant 0 : i32
      %dma_wait3A_81 = tpu.memref_slice %arg9[%run_scoped3A_65, %dma_wait3A_79, %dma_wait3A_80] : memref<2x128x16xf32, #tpu.memory_space<vmem>> -> memref<1x128x16xf32, #tpu.memory_space<vmem>>
      %dma_wait3A_82 = tpu.memref_squeeze %dma_wait3A_81 : memref<1x128x16xf32, #tpu.memory_space<vmem>> -> memref<128x16xf32, #tpu.memory_space<vmem>>
      %dma_wait3A_83 = arith.constant 0 : i32
      %dma_wait3A_84 = tpu.memref_slice %arg8[%run_scoped3A_66, %dma_wait3A_83] : memref<158x128xi32, #tpu.memory_space<vmem>> -> memref<1x128xi32, #tpu.memory_space<vmem>>
      %dma_wait3A_85 = tpu.memref_squeeze %dma_wait3A_84 : memref<1x128xi32, #tpu.memory_space<vmem>> -> memref<128xi32, #tpu.memory_space<vmem>>
      %dma_wait3A_86 = arith.constant 0 : i32
      %dma_wait3A_87 = arith.constant 0 : i32
      %dma_wait3A_88 = tpu.memref_slice %arg12[%dma_wait3A_86, %dma_wait3A_87] : memref<5128x16xf32, #tpu.memory_space<vmem_shared>> -> memref<5128x16xf32, #tpu.memory_space<vmem_shared>>
      tpu.wait_indirect_dma semaphore(%run_scoped3A_68 : memref<!tpu.dma_semaphore, #tpu.memory_space<semaphore_mem>>) src(%dma_wait3A_82 : memref<128x16xf32, #tpu.memory_space<vmem>>) dst(%dma_wait3A_88 : memref<5128x16xf32, #tpu.memory_space<vmem_shared>>)
      tpu.yield
    }) : () -> ()
    %barrier3A_67 = arith.constant 0 : index
    tpu.barrier barrier_id(%barrier3A_67)
    "tpu.region"() ({
      %run_scoped3A_68 = tpu.sem_alloc : memref<!tpu.dma_semaphore, #tpu.memory_space<semaphore_mem>>
      %dma_start3A_69 = arith.constant 0 : i32
      %dma_start3A_70 = tpu.memref_slice %arg6[%arg0, %mul3A_0, %dma_start3A_69] : memref<2x5120x16xf32, #tpu.memory_space<hbm>> -> memref<1x320x16xf32, #tpu.memory_space<hbm>>
      %dma_start3A_71 = tpu.memref_squeeze %dma_start3A_70 : memref<1x320x16xf32, #tpu.memory_space<hbm>> -> memref<320x16xf32, #tpu.memory_space<hbm>>
      %dma_start3A_72 = arith.constant 0 : i32
      %dma_start3A_73 = tpu.memref_slice %arg12[%mul3A_0, %dma_start3A_72] : memref<5128x16xf32, #tpu.memory_space<vmem_shared>> -> memref<320x16xf32, #tpu.memory_space<vmem_shared>>
      tpu.enqueue_dma source(%dma_start3A_73 : memref<320x16xf32, #tpu.memory_space<vmem_shared>>) target(%dma_start3A_71 : memref<320x16xf32, #tpu.memory_space<hbm>>) target_semaphore(%run_scoped3A_68 : memref<!tpu.dma_semaphore, #tpu.memory_space<semaphore_mem>>)
      %dma_wait3A_74 = arith.constant 0 : i32
      %dma_wait3A_75 = tpu.memref_slice %arg6[%arg0, %mul3A_0, %dma_wait3A_74] : memref<2x5120x16xf32, #tpu.memory_space<hbm>> -> memref<1x320x16xf32, #tpu.memory_space<hbm>>
      %dma_wait3A_76 = tpu.memref_squeeze %dma_wait3A_75 : memref<1x320x16xf32, #tpu.memory_space<hbm>> -> memref<320x16xf32, #tpu.memory_space<hbm>>
      %dma_wait3A_77 = arith.constant 0 : i32
      %dma_wait3A_78 = tpu.memref_slice %arg12[%mul3A_0, %dma_wait3A_77] : memref<5128x16xf32, #tpu.memory_space<vmem_shared>> -> memref<320x16xf32, #tpu.memory_space<vmem_shared>>
      tpu.wait_dma2 semaphore(%run_scoped3A_68 : memref<!tpu.dma_semaphore, #tpu.memory_space<semaphore_mem>>) src(%dma_wait3A_78 : memref<320x16xf32, #tpu.memory_space<vmem_shared>>) dst(%dma_wait3A_76 : memref<320x16xf32, #tpu.memory_space<hbm>>)
      tpu.yield
    }) : () -> ()
    return
  }
}

module attributes {stable_mosaic.version = 14 : i64} {
  func.func @gcn_tc_first(%arg0: i32, %arg1: memref<256x128xf32, #tpu.memory_space<vmem>>, %arg2: memref<128x128xf32, #tpu.memory_space<vmem>>, %arg3: memref<256x16xf32, #tpu.memory_space<vmem>>, %arg4: memref<256x128xf32, #tpu.memory_space<vmem>>, %arg5: memref<256x128xf32, #tpu.memory_space<vmem>>) attributes {dimension_semantics = [#tpu.dimension_semantics<arbitrary>], iteration_bounds = array<i64: 40>, scalar_prefetch = 0 : i64, scratch_operands = 0 : i64, tpu.core_type = #tpu.core_type<tc>, window_params = [{transform_indices = @transform_0, window_bounds = array<i64: 256, 128>}, {pipeline_mode = #tpu.pipeline_mode<synchronous>, transform_indices = @transform_1, window_bounds = array<i64: 128, 128>}, {transform_indices = @transform_2, window_bounds = array<i64: 256, 16>}, {transform_indices = @transform_3, window_bounds = array<i64: 256, 128>}, {transform_indices = @transform_4, window_bounds = array<i64: 256, 128>}]} {
    %get3A = arith.constant 0 : index
    %get3A_0 = arith.constant 0 : index
    %get3A_1 = vector.load %arg3[%get3A, %get3A_0] : memref<256x16xf32, #tpu.memory_space<vmem>>, vector<256x16xf32>
    %reduce_sum3A = arith.constant dense<0.000000e+00> : vector<256xf32>
    %reduce_sum3A_2 = vector.multi_reduction <add>, %get3A_1, %reduce_sum3A [1] : vector<256x16xf32> to vector<256xf32>
    %add3A = arith.constant 1.000000e+00 : f32
    %add3A_3 = vector.broadcast %add3A : f32 to vector<256xf32>
    %add3A_4 = arith.addf %reduce_sum3A_2, %add3A_3 : vector<256xf32>
    %mul3A = arith.constant 256 : i32
    %mul3A_5 = arith.muli %arg0, %mul3A : i32
    %iota3A = tpu.iota {dimensions = array<i32: 1>} : vector<1x256xi32>
    %iota3A_6 = vector.shape_cast %iota3A : vector<1x256xi32> to vector<256xi32>
    %add3A_7 = vector.broadcast %mul3A_5 : i32 to vector<256xi32>
    %add3A_8 = arith.addi %add3A_7, %iota3A_6 : vector<256xi32>
    %lt3A = arith.constant 10000 : i32
    %lt3A_9 = vector.broadcast %lt3A : i32 to vector<256xi32>
    %lt3A_10 = arith.cmpi slt, %add3A_8, %lt3A_9 : vector<256xi32>
    %rsqrt3A = math.rsqrt %add3A_4 : vector<256xf32>
    %jit3A = arith.constant 0.000000e+00 : f32
    %broadcast_in_dim3A = vector.broadcast %jit3A : f32 to vector<256xf32>
    %select_n3A = arith.select %lt3A_10, %rsqrt3A, %broadcast_in_dim3A : vector<256xi1>, vector<256xf32>
    %broadcast_in_dim3A_11 = vector.shape_cast %select_n3A : vector<256xf32> to vector<256x1xf32>
    %broadcast_in_dim3A_12 = vector.shape_cast %broadcast_in_dim3A_11 : vector<256x1xf32> to vector<256x1xf32>
    %broadcast_in_dim3A_13 = vector.broadcast %broadcast_in_dim3A_12 : vector<256x1xf32> to vector<256x128xf32>
    %swap3A = arith.constant 0 : index
    %swap3A_14 = arith.constant 0 : index
    %swap3A_15 = vector.load %arg5[%swap3A, %swap3A_14] : memref<256x128xf32, #tpu.memory_space<vmem>>, vector<256x128xf32>
    tpu.vector_store %arg5[%swap3A, %swap3A_14], %broadcast_in_dim3A_13 {strides = array<i32>} : memref<256x128xf32, #tpu.memory_space<vmem>>, vector<256x128xf32>,
    %get3A_16 = arith.constant 0 : index
    %get3A_17 = arith.constant 0 : index
    %get3A_18 = vector.load %arg1[%get3A_16, %get3A_17] : memref<256x128xf32, #tpu.memory_space<vmem>>, vector<256x128xf32>
    %get3A_19 = arith.constant 0 : index
    %get3A_20 = arith.constant 0 : index
    %get3A_21 = vector.load %arg2[%get3A_19, %get3A_20] : memref<128x128xf32, #tpu.memory_space<vmem>>, vector<128x128xf32>
    %dot_general3A = arith.constant dense<0.000000e+00> : vector<256x128xf32>
    %dot_general3A_22 = tpu.matmul %get3A_18, %get3A_21, %dot_general3A {dimension_numbers = #tpu.dot_dimension_numbers<[1], [0], [0], [1], [0, 0, 1, 1], [], []>, transpose_lhs_hint = false} : vector<256x128xf32>, vector<128x128xf32>, vector<256x128xf32> -> vector<256x128xf32>
    %mul3A_23 = arith.mulf %dot_general3A_22, %broadcast_in_dim3A_13 : vector<256x128xf32>
    %swap3A_24 = arith.constant 0 : index
    %swap3A_25 = arith.constant 0 : index
    %swap3A_26 = vector.load %arg4[%swap3A_24, %swap3A_25] : memref<256x128xf32, #tpu.memory_space<vmem>>, vector<256x128xf32>
    tpu.vector_store %arg4[%swap3A_24, %swap3A_25], %mul3A_23 {strides = array<i32>} : memref<256x128xf32, #tpu.memory_space<vmem>>, vector<256x128xf32>,
    return
  }
  func.func @transform_0(%arg0: i32) -> (i32, i32) {
    %c0_i32 = arith.constant 0 : i32
    %c0_i32_0 = arith.constant 0 : i32
    return %arg0, %c0_i32 : i32, i32
  }
  func.func @transform_1(%arg0: i32) -> (i32, i32) {
    %c0_i32 = arith.constant 0 : i32
    %c0_i32_0 = arith.constant 0 : i32
    %c0_i32_1 = arith.constant 0 : i32
    return %c0_i32, %c0_i32_0 : i32, i32
  }
  func.func @transform_2(%arg0: i32) -> (i32, i32) {
    %c0_i32 = arith.constant 0 : i32
    %c0_i32_0 = arith.constant 0 : i32
    return %arg0, %c0_i32 : i32, i32
  }
  func.func @transform_3(%arg0: i32) -> (i32, i32) {
    %c0_i32 = arith.constant 0 : i32
    %c0_i32_0 = arith.constant 0 : i32
    return %arg0, %c0_i32 : i32, i32
  }
  func.func @transform_4(%arg0: i32) -> (i32, i32) {
    %c0_i32 = arith.constant 0 : i32
    %c0_i32_0 = arith.constant 0 : i32
    return %arg0, %c0_i32 : i32, i32
  }
}

module attributes {stable_mosaic.version = 14 : i64} {
  func.func @gcn_tc_mid(%arg0: i32, %arg1: memref<256x128xf32, #tpu.memory_space<vmem>>, %arg2: memref<256x128xf32, #tpu.memory_space<vmem>>, %arg3: memref<256x128xf32, #tpu.memory_space<vmem>>, %arg4: memref<1x128xf32, #tpu.memory_space<vmem>>, %arg5: memref<128x128xf32, #tpu.memory_space<vmem>>, %arg6: memref<256x128xf32, #tpu.memory_space<vmem>>, %arg7: memref<256x128xf32, #tpu.memory_space<vmem>>) attributes {dimension_semantics = [#tpu.dimension_semantics<arbitrary>], iteration_bounds = array<i64: 40>, scalar_prefetch = 0 : i64, scratch_operands = 0 : i64, tpu.core_type = #tpu.core_type<tc>, window_params = [{transform_indices = @transform_0, window_bounds = array<i64: 256, 128>}, {transform_indices = @transform_1, window_bounds = array<i64: 256, 128>}, {transform_indices = @transform_2, window_bounds = array<i64: 256, 128>}, {pipeline_mode = #tpu.pipeline_mode<synchronous>, transform_indices = @transform_3, window_bounds = array<i64: 1, 128>}, {pipeline_mode = #tpu.pipeline_mode<synchronous>, transform_indices = @transform_4, window_bounds = array<i64: 128, 128>}, {transform_indices = @transform_5, window_bounds = array<i64: 256, 128>}, {transform_indices = @transform_6, window_bounds = array<i64: 256, 128>}]} {
    %get3A = arith.constant 0 : index
    %get3A_0 = arith.constant 0 : index
    %get3A_1 = vector.load %arg1[%get3A, %get3A_0] : memref<256x128xf32, #tpu.memory_space<vmem>>, vector<256x128xf32>
    %get3A_2 = arith.constant 0 : index
    %get3A_3 = arith.constant 0 : index
    %get3A_4 = vector.load %arg2[%get3A_2, %get3A_3] : memref<256x128xf32, #tpu.memory_space<vmem>>, vector<256x128xf32>
    %add3A = arith.addf %get3A_1, %get3A_4 : vector<256x128xf32>
    %get3A_5 = arith.constant 0 : index
    %get3A_6 = arith.constant 0 : index
    %get3A_7 = vector.load %arg3[%get3A_5, %get3A_6] : memref<256x128xf32, #tpu.memory_space<vmem>>, vector<256x128xf32>
    %mul3A = arith.mulf %add3A, %get3A_7 : vector<256x128xf32>
    %get3A_8 = arith.constant 0 : index
    %get3A_9 = arith.constant 0 : index
    %get3A_10 = vector.load %arg4[%get3A_8, %get3A_9] : memref<1x128xf32, #tpu.memory_space<vmem>>, vector<1x128xf32>
    %add3A_11 = vector.broadcast %get3A_10 : vector<1x128xf32> to vector<256x128xf32>
    %add3A_12 = arith.addf %mul3A, %add3A_11 : vector<256x128xf32>
    %swap3A = arith.constant 0 : index
    %swap3A_13 = arith.constant 0 : index
    %swap3A_14 = vector.load %arg6[%swap3A, %swap3A_13] : memref<256x128xf32, #tpu.memory_space<vmem>>, vector<256x128xf32>
    tpu.vector_store %arg6[%swap3A, %swap3A_13], %add3A_12 {strides = array<i32>} : memref<256x128xf32, #tpu.memory_space<vmem>>, vector<256x128xf32>,
    %max3A = arith.constant 0.000000e+00 : f32
    %max3A_15 = vector.broadcast %max3A : f32 to vector<256x128xf32>
    %max3A_16 = arith.maximumf %add3A_12, %max3A_15 : vector<256x128xf32>
    %get3A_17 = arith.constant 0 : index
    %get3A_18 = arith.constant 0 : index
    %get3A_19 = vector.load %arg5[%get3A_17, %get3A_18] : memref<128x128xf32, #tpu.memory_space<vmem>>, vector<128x128xf32>
    %dot_general3A = arith.constant dense<0.000000e+00> : vector<256x128xf32>
    %dot_general3A_20 = tpu.matmul %max3A_16, %get3A_19, %dot_general3A {dimension_numbers = #tpu.dot_dimension_numbers<[1], [0], [0], [1], [0, 0, 1, 1], [], []>, transpose_lhs_hint = false} : vector<256x128xf32>, vector<128x128xf32>, vector<256x128xf32> -> vector<256x128xf32>
    %get3A_21 = arith.constant 0 : index
    %get3A_22 = arith.constant 0 : index
    %get3A_23 = vector.load %arg3[%get3A_21, %get3A_22] : memref<256x128xf32, #tpu.memory_space<vmem>>, vector<256x128xf32>
    %mul3A_24 = arith.mulf %dot_general3A_20, %get3A_23 : vector<256x128xf32>
    %swap3A_25 = arith.constant 0 : index
    %swap3A_26 = arith.constant 0 : index
    %swap3A_27 = vector.load %arg7[%swap3A_25, %swap3A_26] : memref<256x128xf32, #tpu.memory_space<vmem>>, vector<256x128xf32>
    tpu.vector_store %arg7[%swap3A_25, %swap3A_26], %mul3A_24 {strides = array<i32>} : memref<256x128xf32, #tpu.memory_space<vmem>>, vector<256x128xf32>,
    return
  }
  func.func @transform_0(%arg0: i32) -> (i32, i32) {
    %c0_i32 = arith.constant 0 : i32
    %c0_i32_0 = arith.constant 0 : i32
    return %arg0, %c0_i32 : i32, i32
  }
  func.func @transform_1(%arg0: i32) -> (i32, i32) {
    %c0_i32 = arith.constant 0 : i32
    %c0_i32_0 = arith.constant 0 : i32
    return %arg0, %c0_i32 : i32, i32
  }
  func.func @transform_2(%arg0: i32) -> (i32, i32) {
    %c0_i32 = arith.constant 0 : i32
    %c0_i32_0 = arith.constant 0 : i32
    return %arg0, %c0_i32 : i32, i32
  }
  func.func @transform_3(%arg0: i32) -> (i32, i32) {
    %c0_i32 = arith.constant 0 : i32
    %c0_i32_0 = arith.constant 0 : i32
    %c0_i32_1 = arith.constant 0 : i32
    return %c0_i32, %c0_i32_0 : i32, i32
  }
  func.func @transform_4(%arg0: i32) -> (i32, i32) {
    %c0_i32 = arith.constant 0 : i32
    %c0_i32_0 = arith.constant 0 : i32
    %c0_i32_1 = arith.constant 0 : i32
    return %c0_i32, %c0_i32_0 : i32, i32
  }
  func.func @transform_5(%arg0: i32) -> (i32, i32) {
    %c0_i32 = arith.constant 0 : i32
    %c0_i32_0 = arith.constant 0 : i32
    return %arg0, %c0_i32 : i32, i32
  }
  func.func @transform_6(%arg0: i32) -> (i32, i32) {
    %c0_i32 = arith.constant 0 : i32
    %c0_i32_0 = arith.constant 0 : i32
    return %arg0, %c0_i32 : i32, i32
  }
}

</mosaic_0001>

<sc_bundles>
// kernel: gcn_sc_agg_d128.7.cloned.1.call-start
scs
__scs_entry_jumppad:
0x0: {  	(pc) =	sbr.rel $0x88, $3  }
0x1: {  	(tag) =	ssettag $0x0;
	lr =	simm.s32 $0x1  }
0x2: {  	[smem:$0x3F99] =	sst lr;
	_ =	strace $0xD0000000  }
0x3: {  	_ = 	snop  }
0x4: {  	_ = 	snop  }
0x5: {  	_ = 	snop  }
0x6: {  	_ = 	snop  }
0x7: {  	_ = 	snop  }
__scs_overlays_trampoline_lowered:
0x8: {  	[smem:$0x3FA8] =	sst s0  }
0x9: {  	[smem:$0x3FA9] =	sst s1  }
0xa: {  	[smem:$0x3FAA] =	sst s2  }
0xb: {  	[smem:$0x3FAB] =	sst s3  }
0xc: {  	[smem:$0x3FAC] =	sst s4  }
0xd: {  	[smem:$0x3FAD] =	sst s5  }
0xe: {  	[smem:$0x3FAE] =	sst s6  }
0xf: {  	[smem:$0x3FAF] =	sst s7  }
0x10: {  	[smem:$0x3FB0] =	sst s8  }
0x11: {  	[smem:$0x3FB1] =	sst s9;
	s0 =	simm.s32 @!p0 $0x0  }
0x12: {  	s1 =	sld [smem:$0x3F97];
	s0 =	simm.s32 @p0 $0x1  }
0x13: {  	[smem:$0x3FB2] =	sst s0;
	s0 =	simm.s32 @!p1 $0x0  }
0x14: {  	s2 =	sld [smem:$0x3F96];
	s0 =	simm.s32 @p1 $0x1  }
0x15: {  	[smem:$0x3FB3] =	sst s0;
	s0 =	simm.s32 @!p2 $0x0  }
0x16: {  	s3 =	sld [smem:$0x3FDB];
	s0 =	simm.s32 @p2 $0x1  }
0x17: {  	s4 =	simm.s32 $0x1BF5;
	[smem:$0x3FB5] =	sst s0  }
0x18: {  	s0 =	sld [smem:$0x3F98];
	_ =	swait.ge [sflag:s4], $0x0  }
0x19: {  	s7 =	sld [smem:$0x3F99]  }
0x1a: {  	s8 =	sadd.s32 $0xFFFFE003, lr  }
0x1b: {  	s9 =	sadd.s32 $0xFFFFFEF7, lr;
	s5 =	simm.s32 $0xFFFFFFFF;
	p2 =	slt.u32 s8, $0xFFFFF086  }
0x1c: {  	p1 =	slt.u32 s9, $0xF7A;
	s5 =	simm.s32 @!p2 $0x0  }
0x1d: {  	s5 =	simm.s32 @p1 $0x1;
	p0 =	seq.s32 s7, s2  }
0x1e: {  	s7 =	smul.u32 @!p0 $0xF7A, s2;
	p2 =	seq.s32 @!p0 s5, $0x0  }
0x1f: {  	s9 =	smul.u32 $0xF7A, s1;
	s8 =	simm.s32 @!p0 $0x1BF5;
	p2 =	por !p2, p0  }
0x20: {  	[sflag:s8] =	ssyncset.s32 @!p0 $0xFFFFF086;
	s6 =	sadd.s32 @!p0 s3, s7;
	s7 =	simm.s32 @!p0 $0x108  }
0x21: {  	s3 =	sadd.s32 s3, s9;
	s6 =	sadd.s32 @!p0 $0x88, s6;
	s7 =	simm.s32 @p2 $0x1082  }
0x22: {  	[simem:s7], [sflag:s8] =	dma.local @!p0 [hbm:s6], $0xF7A  }
0x23: {  	s9 =	sor.u32 $0xD0000000, s2;
	s6 =	simm.s32 $0x108;
	_ =	swait.ge @!p0 [sflag:s8], $0x0  }
0x24: {  	s3 =	sadd.s32 $0x88, s3;
	s6 =	simm.s32 @!p1 $0x1082;
	[sflag:s4] =	ssyncset.s32 $0xFFFFF086  }
0x25: {  	[simem:s6], [sflag:s4] =	dma.local [hbm:s3], $0xF7A  }
0x26: {  	[smem:$0x3F99] =	sst s1;
	(tag) =	ssettag s2;
	_ =	strace s9  }
0x27: {  	s1 =	sld [smem:$0x3FA9]  }
0x28: {  	s2 =	sld [smem:$0x3FAA]  }
0x29: {  	s4 =	sld [smem:$0x3FAC]  }
0x2a: {  	p0 =	seq.s32 s5, $0x0;
	s5 =	sld [smem:$0x3FAD]  }
0x2b: {  	s6 =	sld [smem:$0x3FAE]  }
0x2c: {  	s7 =	sld [smem:$0x3FAF]  }
0x2d: {  	s3 =	simm.s32 $0x108;
	s8 =	sld [smem:$0x3FB0]  }
0x2e: {  	s3 =	simm.s32 @!p0 $0x1082;
	s9 =	sld [smem:$0x3FB1]  }
0x2f: {  	lr =	sadd.s32 s0, s3;
	s0 =	sld [smem:$0x3FA8]  }
0x30: {  	s3 =	sld [smem:$0x3FAB]  }
0x31: {  	[smem:$0x3FB4] =	sst s10  }
0x32: {  	s10 =	sld [smem:$0x3FB2];
	_ =	sdelay $0x3  }
0x33: {  	p0 =	seq.s32 s10, $0x1;
	s10 =	sld [smem:$0x3FB4];
	_ =	sdelay $0x3  }
0x34: {  	[smem:$0x3FB4] =	sst s10  }
0x35: {  	s10 =	sld [smem:$0x3FB3];
	_ =	sdelay $0x3  }
0x36: {  	p1 =	seq.s32 s10, $0x1;
	s10 =	sld [smem:$0x3FB4];
	_ =	sdelay $0x3  }
0x37: {  	[smem:$0x3FB4] =	sst s10  }
0x38: {  	s10 =	sld [smem:$0x3FB5]  }
0x39: {  	_ = 	snop;
	(pc) =	sbr.ind lr, $3  }
0x3a: {  	_ = 	snop  }
0x3b: {  	_ = 	snop  }
0x3c: {  	p2 =	seq.s32 s10, $0x1;
	s10 =	sld [smem:$0x3FB4]  }
0x3d: {  	_ =	shalt  }
0x3e: {  	_ =	shalt  }
0x3f: {  	_ =	shalt  }
0x40: {  	_ =	shalt  }
0x41: {  	_ =	shalt  }
0x42: {  	_ =	shalt  }
0x43: {  	_ =	shalt  }
0x44: {  	_ =	shalt  }
0x45: {  	_ =	shalt  }
0x46: {  	_ =	shalt  }
0x47: {  	_ =	shalt  }
0x48: {  	_ =	shalt  }
0x49: {  	_ =	shalt  }
0x4a: {  	_ =	shalt  }
0x4b: {  	_ =	shalt  }
0x4c: {  	_ =	shalt  }
0x4d: {  	_ =	shalt  }
0x4e: {  	_ =	shalt  }
0x4f: {  	_ =	shalt  }
0x50: {  	_ =	shalt  }
0x51: {  	_ =	shalt  }
0x52: {  	_ =	shalt  }
0x53: {  	_ =	shalt  }
0x54: {  	_ =	shalt  }
0x55: {  	_ =	shalt  }
0x56: {  	_ =	shalt  }
0x57: {  	_ =	shalt  }
0x58: {  	_ =	shalt  }
0x59: {  	_ =	shalt  }
0x5a: {  	_ =	shalt  }
0x5b: {  	_ =	shalt  }
0x5c: {  	_ =	shalt  }
0x5d: {  	_ =	shalt  }
0x5e: {  	_ =	shalt  }
0x5f: {  	_ =	shalt  }
0x60: {  	_ =	shalt  }
0x61: {  	_ =	shalt  }
0x62: {  	_ =	shalt  }
0x63: {  	_ =	shalt  }
0x64: {  	_ =	shalt  }
0x65: {  	_ =	shalt  }
0x66: {  	_ =	shalt  }
0x67: {  	_ =	shalt  }
0x68: {  	_ =	shalt  }
0x69: {  	_ =	shalt  }
0x6a: {  	_ =	shalt  }
0x6b: {  	_ =	shalt  }
0x6c: {  	_ =	shalt  }
0x6d: {  	_ =	shalt  }
0x6e: {  	_ =	shalt  }
0x6f: {  	_ =	shalt  }
0x70: {  	_ =	shalt  }
0x71: {  	_ =	shalt  }
0x72: {  	_ =	shalt  }
0x73: {  	_ =	shalt  }
0x74: {  	_ =	shalt  }
0x75: {  	_ =	shalt  }
0x76: {  	_ =	shalt  }
0x77: {  	_ =	shalt  }
0x78: {  	_ =	shalt  }
0x79: {  	_ =	shalt  }
0x7a: {  	_ =	shalt  }
0x7b: {  	_ =	shalt  }
0x7c: {  	_ =	shalt  }
0x7d: {  	_ =	shalt  }
0x7e: {  	_ =	shalt  }
0x7f: {  	_ =	shalt  }
0x80: {  	_ =	shalt  }
0x81: {  	_ =	shalt  }
0x82: {  	_ =	shalt  }
0x83: {  	_ =	shalt  }
0x84: {  	_ =	shalt  }
0x85: {  	_ =	shalt  }
0x86: {  	_ =	shalt  }
0x87: {  	_ =	shalt  }
.Lfunc_end0:
.L_simem_size_0:
called_computation_lowered:
.L_overlay_start_0:
0x88: {  	s2 =	sld [smem:$0x3FD9]  }
0x89: {  	s3 =	sld [smem:$0x3FFE];
	_ =	sdelay $0x1  }
0x8a: {  	s1 =	srdreg.scid  }
0x8b: {  	s0 =	sand.u32 $0x1, s1  }
0x8c: {  	s17 =	sshll.u32 s0, $0xA;
	s2 =	sadd.s32 s3, s2  }
0x8d: {  	s2 =	sadd.s32 s2, s17  }
0x8e: {  	[smem:$0x3FC0] =	sst s2  }
0x8f: {  	_ = 	snop  }
0x90: {  	s2 =	sld [smem:$0x3FD0];
	(tm) =	ssettm $0x1  }
0x91: {  	s18 =	sld [smem:$0x3FFB];
	_ =	sdelay $0x3  }
0x92: {  	_ =	strace s18  }
0x93: {  	s3 =	sld [smem:$0x3FFC];
	_ =	sdelay $0x3  }
0x94: {  	_ =	strace s3  }
0x95: {  	s3 =	sld [smem:$0x3FFD];
	_ =	sdelay $0x3  }
0x96: {  	_ =	strace s3  }
0x97: {  	_ =	strace $0x8FFFFFFF  }
0x98: {  	s19 =	sld [smem:$0x3FDB];
	_ =	sdelay $0x1  }
0x99: {  	s4 =	simm.s32 $_scs_section_size  }
0x9a: {  	s5 =	simm.s32 $_size__tile_overlayer_lowered;
	s6 =	simm.s32 $_tile_overlayer_lowered  }
0x9b: {  	s22 =	simm.s32 $0x1BFF;
	s21 =	sshll.u32 s6, $0x1;
	s3 =	sadd.s32 s4, s19  }
0x9c: {  	s7 =	simm.s32 $0x0;
	s20 =	sshll.u32 s5, $0x1;
	s5 =	sadd.s32 s21, s3  }
0x9d: {  	[timem:s7], [sflag:s22] =	dma.local [hbm:s5], s20  }
0x9e: {  	_ =	swait.ge [sflag:s22], s20  }
0x9f: {  	s4 =	ssub.s32 $0x0, s20;
	[sflag:s22] =	ssyncset.done $0x0  }
0xa0: {  	[sflag:s22] =	ssyncadd.s32 s4;
	_ =	sdelay $0x1  }
0xa1: {  	s23 =	simm.s32 $0x1B8B  }
0xa2: {  	_ =	swait.ge [sflag:s23], $0x1  }
0xa3: {  	[sflag:s23] =	ssyncset.done $0x0  }
0xa4: {  	s25 =	simm.s32 $0x1B8E;
	s24 =	sld [smem:$0x3FFE];
	[sflag:s23] =	ssyncadd.s32 $0xFFFFFFFF  }
0xa5: {  	s26 =	simm.s32 $execute0_lowered;
	[smem:$0x3FD2] =	sst s25  }
0xa6: {  	s5 =	sshll.u32 s26, $0x1;
	_ =	strace $0x80000049;
	[dreg:$0x1] =	wrdreg $0xFFFFFFFF  }
0xa7: {  	s28 =	simm.s32 $_size_execute0_lowered;
	s3 =	sadd.s32 s3, s5;
	[dreg:$0x0] =	wrdreg $0x0  }
0xa8: {  	s5 =	sshll.u32 s28, $0x1;
	[dreg:$0x2] =	wrdreg s3  }
0xa9: {  	[dreg:$0x3] =	wrdreg s5  }
0xaa: {  	[dreg:$0x4] =	wrdreg $0xC0  }
0xab: {  	_ =	task [dreg:s7], $0x5FFFF  }
0xac: {  	[dreg:$0x1] =	wrdreg $0xFFFFFFFF  }
0xad: {  	[dreg:$0x0] =	wrdreg $0x60  }
0xae: {  	[dreg:$0x2] =	wrdreg s24  }
0xaf: {  	[dreg:$0x3] =	wrdreg s2  }
0xb0: {  	[dreg:$0x4] =	wrdreg $0x11E000  }
0xb1: {  	[dreg:$0x5] =	wrdreg $0x9  }
0xb2: {  	_ =	task.clear_ibuf [dreg:s7], $0x6FFFF;
	_ =	strace $0x90000049  }
0xb3: {  	s29 =	simm.s32 $0x9;
	_ =	strace $0x8000004B  }
0xb4: {  	_ =	swait.ge [sflag:s29], $0x1  }
0xb5: {  	[sflag:s29] =	ssyncadd.s32 $0xFFFFFFFF  }
0xb6: {  	_ =	strace $0x9000004B  }
0xb7: {  	_ =	sfence  }
0xb8: {  	s30 =	sld [smem:$0x0];
	_ =	sdelay $0x2  }
0xb9: {  	s31 =	sshll.u32 s1, $0xD;
	s1 =	sshrl.u32 s1, $0x2  }
0xba: {  	s3 =	sand.u32 $0x4000, s31;
	s1 =	sadd.s32 s1, s30  }
0xbb: {  	s0 =	sor.u32 s3, s0;
	s1 =	sshll.u32 s1, $0x11  }
0xbc: {  	s0 =	sor.u32 s1, s0  }
0xbd: {  	s0 =	sadd.s32 $0x8F2B, s0  }
0xbe: {  	[sflag:s0] =	ssyncadd.remote.s32 $0x1  }
0xbf: {  	_ =	sfence.sel $0xFFFF  }
0xc0: {  	[dreg:$0x0] =	wrdreg $0xFFFFFFFF;
	(pc) =	sbr.abs _section_cstart, $3  }
0xc1: {  	[dreg:$0x1] =	wrdreg $0xFFFFFFFF  }
0xc2: {  	_ =	task.clear_ibuf [dreg:s7], $0x2FFFF;
	_ =	strace $0x9FFFFFFF  }
0xc3: {  	(tm) =	ssettm $0x7FFFFFFF  }
tec
execute0_lowered:
.L_overlay_start_1:
0x0: {  	(tag) =	ssettag $0x1  }
0x1: {  	s6 =	rddreg [dreg:$0x0]  }
0x2: {  	s8 =	rddreg [dreg:$0x1]  }
0x3: {  	s2 =	rddreg [dreg:$0x2]  }
0x4: {  	s0 =	rddreg [dreg:$0x3]  }
0x5: {  	s1 =	stileid.u32;
	s4 =	srdreg.scid;
	s3 =	simm.s32 $0x0  }
0x6: {  	s15 =	simm.s32 $0x9E00;
	s16 =	simm.s32 $0xDE00;
	s17 =	simm.s32 $0x1  }
0x7: {  	s18 =	simm.s32 $0x3;
	s19 =	simm.s32 $0x2;
	s20 =	simm.s32 $0x4  }
0x8: {  	s21 =	simm.s32 $0x9D00;
	s22 =	simm.s32 $0x9D80;
	s7 =	smul.u32 $0x4F00, s1  }
0x9: {  	s23 =	simm.s32 $0x0;
	s5 =	sand.u32 $0x1, s4;
	s9 =	smul.u32 $0xA000, s1  }
0xa: {  	[smem:$0x7FF] =	sst s3;
	s4 =	sadd.s32 $0x98E00, s6;
	s30 =	sshll.u32 s1, $0x6  }
0xb: {  	s11 =	smul.u32 $0xA0000, s5;
	_ =	strace $0x8000004A;
	s12 =	ssub.s32 $0x2, s5  }
0xc: {  	s13 =	smul.u32 $0x4F000, s5;
	s5 =	sadd.s32 $0xC800, s6;
	s10 =	sshrl.u32 s7, $0x3  }
0xd: {  	s14 =	sshrl.u32 s12, $0x1;
	s29 =	sadd.s32 s9, s2;
	s10 =	sadd.s32 s10, s6  }
0xe: {  	s11 =	sadd.s32 s9, s11;
	s12 =	ssub.s32 s12, s14;
	s28 =	sadd.s32 s7, s13  }
0xf: {  	s13 =	simm.s32 $0x4F00;
	s14 =	simm.s32 $0x80;
	s11 =	sshrl.u32 s11, $0x3  }
0x10: {  	s31 =	sshrl.u32 s28, $0x3;
	s7 =	sadd.s32 $0x2A00, s10;
	s10 =	smax.u32 s12, $0x1  }
0x11: {  	s12 =	simm.s32 $0x5;
	s11 =	sadd.s32 s11, s6;
	s6 =	sor.u32 $0x1C05, s30  }
0x12: {  	s8 =	sadd.s32 s8, s31;
	s9 =	sadd.s32 $0xC0E00, s11;
	s11 =	sshrl.u32 s29, $0x3  }
.LBB2_1:
0x13: {  	[spmem:s11], [sflag:s6] =	dma.local [hbm:s5], $0x1400  }
0x14: {  	_ =	swait.ge [sflag:s12], $0x1400  }
0x15: {  	[sflag:s12] =	ssyncset.done $0x0  }
0x16: {  	[sflag:s12] =	ssyncadd.s32 $0xFFFFEC00  }
0x17: {  	[tilespmem:s3], [sflag:$0x5] =	stream.linear.gather [hbm4b:s7+s3], $0x4F00, $0x38;
	[tilespmem:$0x1BE40] =	vst v63  }
0x18: {  	_ =	swait.ge [sflag:s12], $0x4F00  }
0x19: {  	[sflag:s12] =	ssyncset.done $0x0  }
0x1a: {  	[sflag:s12] =	ssyncadd.s32 $0xFFFFB100  }
0x1b: {  	[tilespmem:s13], [sflag:$0x5] =	stream.linear.gather [hbm4b:s8+s3], $0x4F00, $0x38;
	[tilespmem:$0x1BE40] =	vst v63  }
0x1c: {  	_ =	swait.ge [sflag:s12], $0x4F00  }
0x1d: {  	[sflag:s12] =	ssyncset.done $0x0  }
0x1e: {  	[sflag:s12] =	ssyncadd.s32 $0xFFFFB100  }
0x1f: {  	[bflag:$0x0] =	sbarrier.arrive $0xFFFF  }
0x20: {  	[tilespmem:s15], [sflag:$0x1] =	stream.indirect.gather [hbm4b:s4+s14], $0x80, s3, s14, $0xb8;
	[tilespmem:$0x1BE40] =	vst v63  }
0x21: {  	_ = 	snop  }
0x22: {  	[tilespmem:s16], [sflag:$0x2] =	stream.indirect.gather [hbm4b:s4+s14], $0x80, s14, s14, $0xb8;
	[tilespmem:$0x1BE40] =	vst v63  }
0x23: {  	_ =	swait.ge [sflag:s17], $0x4000  }
0x24: {  	[sflag:s17] =	ssyncset.done $0x0  }
0x25: {  	s24 =	simm.s32 $0x4F00;
	[sflag:s17] =	ssyncadd.s32 $0xFFFFC000  }
0x26: {  	[spmem:s2] =	stream.indirect.scatter.add.f32 [tilespmem:s15], [sflag:$0x3], $0x80, s24, s14, $0xb8;
	[tilespmem:$0x1BE40] =	vst v63  }
0x27: {  	_ =	swait.ge [sflag:s18], $0x4000  }
0x28: {  	[sflag:s18] =	ssyncset.done $0x0  }
0x29: {  	s30 =	simm.s32 $0x100;
	[sflag:s18] =	ssyncadd.s32 $0xFFFFC000  }
0x2a: {  	[tilespmem:s15], [sflag:$0x1] =	stream.indirect.gather [hbm4b:s4+s14], $0x80, s30, s14, $0xb8;
	[tilespmem:$0x1BE40] =	vst v63  }
0x2b: {  	_ =	swait.ge [sflag:s19], $0x4000  }
0x2c: {  	[sflag:s19] =	ssyncset.done $0x0  }
0x2d: {  	s31 =	simm.s32 $0x4F80;
	[sflag:s19] =	ssyncadd.s32 $0xFFFFC000  }
0x2e: {  	[spmem:s2] =	stream.indirect.scatter.add.f32 [tilespmem:s16], [sflag:$0x4], $0x80, s31, s14, $0xb8;
	[tilespmem:$0x1BE40] =	vst v63  }
0x2f: {  	_ =	swait.ge [sflag:s20], $0x4000  }
0x30: {  	[sflag:s20] =	ssyncset.done $0x0  }
0x31: {  	s25 =	simm.s32 $0x180;
	s24 =	simm.s32 $0x400;
	[sflag:s20] =	ssyncadd.s32 $0xFFFFC000  }
.LBB2_2:
0x32: {  	[tilespmem:s16], [sflag:$0x2] =	stream.indirect.gather [hbm4b:s4+s14], $0x80, s25, s14, $0xb8;
	[tilespmem:$0x1BE40] =	vst v63  }
0x33: {  	s25 =	smov.u32 s24  }
0x34: {  	p0 =	sne.s32 s24, $0x13400;
	s24 =	sadd.s32 $0x400, s24;
	_ =	swait.ge [sflag:s17], $0x4000  }
0x35: {  	s25 =	sshra.s32 s25, $0x2;
	[sflag:s17] =	ssyncset.done $0x0  }
0x36: {  	s26 =	sadd.s32 $0x4F00, s25;
	[sflag:s17] =	ssyncadd.s32 $0xFFFFC000  }
0x37: {  	[spmem:s2] =	stream.indirect.scatter.add.f32 [tilespmem:s15], [sflag:$0x3], $0x80, s26, s14, $0xb8;
	[tilespmem:$0x1BE40] =	vst v63  }
0x38: {  	_ =	swait.ge [sflag:s18], $0x4000  }
0x39: {  	[sflag:s18] =	ssyncset.done $0x0  }
0x3a: {  	s26 =	sadd.s32 $0x100, s25;
	[sflag:s18] =	ssyncadd.s32 $0xFFFFC000  }
0x3b: {  	[tilespmem:s15], [sflag:$0x1] =	stream.indirect.gather [hbm4b:s4+s14], $0x80, s26, s14, $0xb8;
	[tilespmem:$0x1BE40] =	vst v63  }
0x3c: {  	_ =	swait.ge [sflag:s19], $0x4000  }
0x3d: {  	[sflag:s19] =	ssyncset.done $0x0  }
.Ltmp0:
0x3e: {  	s26 =	sadd.s32 $0x4F80, s25;
	[sflag:s19] =	ssyncadd.s32 $0xFFFFC000;
	(pc) =	sbr.rel @p0 .LBB2_2-.Ltmp0, $4  }
0x3f: {  	[spmem:s2] =	stream.indirect.scatter.add.f32 [tilespmem:s16], [sflag:$0x4], $0x80, s26, s14, $0xb8;
	[tilespmem:$0x1BE40] =	vst v63  }
0x40: {  	_ =	swait.ge [sflag:s20], $0x4000  }
0x41: {  	[sflag:s20] =	ssyncset.done $0x0  }
0x42: {  	s25 =	sadd.s32 $0x180, s25;
	[sflag:s20] =	ssyncadd.s32 $0xFFFFC000  }
0x43: {  	[tilespmem:s16], [sflag:$0x2] =	stream.indirect.gather [hbm4b:s4+s14], $0x80, s25, s14, $0xb8;
	[tilespmem:$0x1BE40] =	vst v63  }
0x44: {  	_ =	swait.ge [sflag:s17], $0x4000  }
0x45: {  	[sflag:s17] =	ssyncset.done $0x0  }
0x46: {  	[sflag:s17] =	ssyncadd.s32 $0xFFFFC000  }
0x47: {  	[spmem:s2] =	stream.indirect.scatter.add.f32 [tilespmem:s15], [sflag:$0x5], $0x80, s21, s14, $0xb8;
	[tilespmem:$0x1BE40] =	vst v63  }
0x48: {  	_ =	swait.ge [sflag:s12], $0x4000  }
0x49: {  	[sflag:s12] =	ssyncset.done $0x0  }
0x4a: {  	[sflag:s12] =	ssyncadd.s32 $0xFFFFC000  }
0x4b: {  	_ =	swait.ge [sflag:s19], $0x4000  }
0x4c: {  	[sflag:s19] =	ssyncset.done $0x0  }
0x4d: {  	[sflag:s19] =	ssyncadd.s32 $0xFFFFC000  }
0x4e: {  	[spmem:s2] =	stream.indirect.scatter.add.f32 [tilespmem:s16], [sflag:$0x5], $0x80, s22, s14, $0xb8;
	[tilespmem:$0x1BE40] =	vst v63  }
0x4f: {  	_ =	swait.ge [sflag:s12], $0x4000  }
0x50: {  	s23 =	sadd.s32 $0x1, s23;
	[sflag:s12] =	ssyncset.done $0x0  }
0x51: {  	p0 =	sne.s32 s23, s10;
	[sflag:s12] =	ssyncadd.s32 $0xFFFFC000  }
.Ltmp1:
0x52: {  	[bflag:$0x0] =	sbarrier.arrive $0xFFFF;
	(pc) =	sbr.rel @p0 .LBB2_1-.Ltmp1, $4  }
0x53: {  	[hbm:s9], [sflag:s6] =	dma.local [spmem:s11], $0x1400  }
0x54: {  	_ =	swait.ge [sflag:s12], $0x1400  }
0x55: {  	[sflag:s12] =	ssyncset.done $0x0  }
0x56: {  	[sflag:s12] =	ssyncadd.s32 $0xFFFFEC00  }
0x57: {  	_ =	sfence.sel $0x180000  }
0x58: {  	[bflag:$0x0] =	sbarrier.arrive $0xFFFF  }
0x59: {  	p0 =	sne.s32 s1, $0x0;
	_ =	strace $0x9000004A  }
0x5a: {  	s0 =	sadd.s32 @!p0 $0x100000, s0;
	[bflag:$0x2] =	sbarrier.arrive $0xFFFF  }
0x5b: {  	[sflag:s0] =	ssyncadd.tile.s32 @!p0 $0x1;
	_ =	shalt  }
.Lfunc_end2:
_tile_overlayer_lowered:
.L_overlay_start_2:
0x5c: {  	(tag) =	ssettag $0x2  }
0x5d: {  	s0 =	rddreg [dreg:$0x0];
	s2 =	stileid.u32  }
0x5e: {  	s1 =	rddreg [dreg:$0x1];
	p0 =	sne.s32 s2, $0x0  }
0x5f: {  	s3 =	rddreg [dreg:$0x2];
	[bflag:$0x3] =	sbarrier.arrive $0xFFFF;
	s2 =	simm.s32 @!p0 $0x1C05  }
0x60: {  	[timem:s3], [sflag:s2] =	dma.local @!p0 [hbm:s0], s1  }
0x61: {  	s0 =	simm.s32 @!p0 $0x5  }
0x62: {  	_ =	swait.ge @!p0 [sflag:s0], s1  }
0x63: {  	s1 =	ssub.s32 @!p0 $0x0, s1;
	[sflag:s0] =	ssyncset.done @!p0 $0x0  }
0x64: {  	[sflag:s0] =	ssyncadd.s32 @!p0 s1  }
0x65: {  	[bflag:$0x3] =	sbarrier.arrive $0xFFFF  }
0x66: {  	_ =	shalt  }

// kernel: gcn_sc_agg_d16.3.cloned.1.call-start
scs
__scs_entry_jumppad:
0x0: {  	(pc) =	sbr.rel $0x88, $3  }
0x1: {  	(tag) =	ssettag $0x0;
	lr =	simm.s32 $0x1  }
0x2: {  	[smem:$0x3F99] =	sst lr;
	_ =	strace $0xD0000000  }
0x3: {  	_ = 	snop  }
0x4: {  	_ = 	snop  }
0x5: {  	_ = 	snop  }
0x6: {  	_ = 	snop  }
0x7: {  	_ = 	snop  }
__scs_overlays_trampoline_lowered:
0x8: {  	[smem:$0x3FA8] =	sst s0  }
0x9: {  	[smem:$0x3FA9] =	sst s1  }
0xa: {  	[smem:$0x3FAA] =	sst s2  }
0xb: {  	[smem:$0x3FAB] =	sst s3  }
0xc: {  	[smem:$0x3FAC] =	sst s4  }
0xd: {  	[smem:$0x3FAD] =	sst s5  }
0xe: {  	[smem:$0x3FAE] =	sst s6  }
0xf: {  	[smem:$0x3FAF] =	sst s7  }
0x10: {  	[smem:$0x3FB0] =	sst s8  }
0x11: {  	[smem:$0x3FB1] =	sst s9;
	s0 =	simm.s32 @!p0 $0x0  }
0x12: {  	s1 =	sld [smem:$0x3F97];
	s0 =	simm.s32 @p0 $0x1  }
0x13: {  	[smem:$0x3FB2] =	sst s0;
	s0 =	simm.s32 @!p1 $0x0  }
0x14: {  	s2 =	sld [smem:$0x3F96];
	s0 =	simm.s32 @p1 $0x1  }
0x15: {  	[smem:$0x3FB3] =	sst s0;
	s0 =	simm.s32 @!p2 $0x0  }
0x16: {  	s3 =	sld [smem:$0x3FDB];
	s0 =	simm.s32 @p2 $0x1  }
0x17: {  	s4 =	simm.s32 $0x1BF5;
	[smem:$0x3FB5] =	sst s0  }
0x18: {  	s0 =	sld [smem:$0x3F98];
	_ =	swait.ge [sflag:s4], $0x0  }
0x19: {  	s7 =	sld [smem:$0x3F99]  }
0x1a: {  	s8 =	sadd.s32 $0xFFFFE003, lr  }
0x1b: {  	s9 =	sadd.s32 $0xFFFFFEF7, lr;
	s5 =	simm.s32 $0xFFFFFFFF;
	p2 =	slt.u32 s8, $0xFFFFF086  }
0x1c: {  	p1 =	slt.u32 s9, $0xF7A;
	s5 =	simm.s32 @!p2 $0x0  }
0x1d: {  	s5 =	simm.s32 @p1 $0x1;
	p0 =	seq.s32 s7, s2  }
0x1e: {  	s7 =	smul.u32 @!p0 $0xF7A, s2;
	p2 =	seq.s32 @!p0 s5, $0x0  }
0x1f: {  	s9 =	smul.u32 $0xF7A, s1;
	s8 =	simm.s32 @!p0 $0x1BF5;
	p2 =	por !p2, p0  }
0x20: {  	[sflag:s8] =	ssyncset.s32 @!p0 $0xFFFFF086;
	s6 =	sadd.s32 @!p0 s3, s7;
	s7 =	simm.s32 @!p0 $0x108  }
0x21: {  	s3 =	sadd.s32 s3, s9;
	s6 =	sadd.s32 @!p0 $0x88, s6;
	s7 =	simm.s32 @p2 $0x1082  }
0x22: {  	[simem:s7], [sflag:s8] =	dma.local @!p0 [hbm:s6], $0xF7A  }
0x23: {  	s9 =	sor.u32 $0xD0000000, s2;
	s6 =	simm.s32 $0x108;
	_ =	swait.ge @!p0 [sflag:s8], $0x0  }
0x24: {  	s3 =	sadd.s32 $0x88, s3;
	s6 =	simm.s32 @!p1 $0x1082;
	[sflag:s4] =	ssyncset.s32 $0xFFFFF086  }
0x25: {  	[simem:s6], [sflag:s4] =	dma.local [hbm:s3], $0xF7A  }
0x26: {  	[smem:$0x3F99] =	sst s1;
	(tag) =	ssettag s2;
	_ =	strace s9  }
0x27: {  	s1 =	sld [smem:$0x3FA9]  }
0x28: {  	s2 =	sld [smem:$0x3FAA]  }
0x29: {  	s4 =	sld [smem:$0x3FAC]  }
0x2a: {  	p0 =	seq.s32 s5, $0x0;
	s5 =	sld [smem:$0x3FAD]  }
0x2b: {  	s6 =	sld [smem:$0x3FAE]  }
0x2c: {  	s7 =	sld [smem:$0x3FAF]  }
0x2d: {  	s3 =	simm.s32 $0x108;
	s8 =	sld [smem:$0x3FB0]  }
0x2e: {  	s3 =	simm.s32 @!p0 $0x1082;
	s9 =	sld [smem:$0x3FB1]  }
0x2f: {  	lr =	sadd.s32 s0, s3;
	s0 =	sld [smem:$0x3FA8]  }
0x30: {  	s3 =	sld [smem:$0x3FAB]  }
0x31: {  	[smem:$0x3FB4] =	sst s10  }
0x32: {  	s10 =	sld [smem:$0x3FB2];
	_ =	sdelay $0x3  }
0x33: {  	p0 =	seq.s32 s10, $0x1;
	s10 =	sld [smem:$0x3FB4];
	_ =	sdelay $0x3  }
0x34: {  	[smem:$0x3FB4] =	sst s10  }
0x35: {  	s10 =	sld [smem:$0x3FB3];
	_ =	sdelay $0x3  }
0x36: {  	p1 =	seq.s32 s10, $0x1;
	s10 =	sld [smem:$0x3FB4];
	_ =	sdelay $0x3  }
0x37: {  	[smem:$0x3FB4] =	sst s10  }
0x38: {  	s10 =	sld [smem:$0x3FB5]  }
0x39: {  	_ = 	snop;
	(pc) =	sbr.ind lr, $3  }
0x3a: {  	_ = 	snop  }
0x3b: {  	_ = 	snop  }
0x3c: {  	p2 =	seq.s32 s10, $0x1;
	s10 =	sld [smem:$0x3FB4]  }
0x3d: {  	_ =	shalt  }
0x3e: {  	_ =	shalt  }
0x3f: {  	_ =	shalt  }
0x40: {  	_ =	shalt  }
0x41: {  	_ =	shalt  }
0x42: {  	_ =	shalt  }
0x43: {  	_ =	shalt  }
0x44: {  	_ =	shalt  }
0x45: {  	_ =	shalt  }
0x46: {  	_ =	shalt  }
0x47: {  	_ =	shalt  }
0x48: {  	_ =	shalt  }
0x49: {  	_ =	shalt  }
0x4a: {  	_ =	shalt  }
0x4b: {  	_ =	shalt  }
0x4c: {  	_ =	shalt  }
0x4d: {  	_ =	shalt  }
0x4e: {  	_ =	shalt  }
0x4f: {  	_ =	shalt  }
0x50: {  	_ =	shalt  }
0x51: {  	_ =	shalt  }
0x52: {  	_ =	shalt  }
0x53: {  	_ =	shalt  }
0x54: {  	_ =	shalt  }
0x55: {  	_ =	shalt  }
0x56: {  	_ =	shalt  }
0x57: {  	_ =	shalt  }
0x58: {  	_ =	shalt  }
0x59: {  	_ =	shalt  }
0x5a: {  	_ =	shalt  }
0x5b: {  	_ =	shalt  }
0x5c: {  	_ =	shalt  }
0x5d: {  	_ =	shalt  }
0x5e: {  	_ =	shalt  }
0x5f: {  	_ =	shalt  }
0x60: {  	_ =	shalt  }
0x61: {  	_ =	shalt  }
0x62: {  	_ =	shalt  }
0x63: {  	_ =	shalt  }
0x64: {  	_ =	shalt  }
0x65: {  	_ =	shalt  }
0x66: {  	_ =	shalt  }
0x67: {  	_ =	shalt  }
0x68: {  	_ =	shalt  }
0x69: {  	_ =	shalt  }
0x6a: {  	_ =	shalt  }
0x6b: {  	_ =	shalt  }
0x6c: {  	_ =	shalt  }
0x6d: {  	_ =	shalt  }
0x6e: {  	_ =	shalt  }
0x6f: {  	_ =	shalt  }
0x70: {  	_ =	shalt  }
0x71: {  	_ =	shalt  }
0x72: {  	_ =	shalt  }
0x73: {  	_ =	shalt  }
0x74: {  	_ =	shalt  }
0x75: {  	_ =	shalt  }
0x76: {  	_ =	shalt  }
0x77: {  	_ =	shalt  }
0x78: {  	_ =	shalt  }
0x79: {  	_ =	shalt  }
0x7a: {  	_ =	shalt  }
0x7b: {  	_ =	shalt  }
0x7c: {  	_ =	shalt  }
0x7d: {  	_ =	shalt  }
0x7e: {  	_ =	shalt  }
0x7f: {  	_ =	shalt  }
0x80: {  	_ =	shalt  }
0x81: {  	_ =	shalt  }
0x82: {  	_ =	shalt  }
0x83: {  	_ =	shalt  }
0x84: {  	_ =	shalt  }
0x85: {  	_ =	shalt  }
0x86: {  	_ =	shalt  }
0x87: {  	_ =	shalt  }
.Lfunc_end0:
.L_simem_size_0:
called_computation.1_lowered:
.L_overlay_start_0:
0x88: {  	s2 =	sld [smem:$0x3FD9]  }
0x89: {  	s3 =	sld [smem:$0x3FFE];
	_ =	sdelay $0x1  }
0x8a: {  	s1 =	srdreg.scid  }
0x8b: {  	s0 =	sand.u32 $0x1, s1  }
0x8c: {  	s17 =	sshll.u32 s0, $0xA;
	s2 =	sadd.s32 s3, s2  }
0x8d: {  	s2 =	sadd.s32 s2, s17  }
0x8e: {  	[smem:$0x3FC0] =	sst s2  }
0x8f: {  	_ = 	snop  }
0x90: {  	s2 =	sld [smem:$0x3FD0];
	(tm) =	ssettm $0x1  }
0x91: {  	s18 =	sld [smem:$0x3FFB];
	_ =	sdelay $0x3  }
0x92: {  	_ =	strace s18  }
0x93: {  	s3 =	sld [smem:$0x3FFC];
	_ =	sdelay $0x3  }
0x94: {  	_ =	strace s3  }
0x95: {  	s3 =	sld [smem:$0x3FFD];
	_ =	sdelay $0x3  }
0x96: {  	_ =	strace s3  }
0x97: {  	_ =	strace $0x8FFFFFFF  }
0x98: {  	s19 =	sld [smem:$0x3FDB];
	_ =	sdelay $0x1  }
0x99: {  	s4 =	simm.s32 $_scs_section_size  }
0x9a: {  	s5 =	simm.s32 $_size__tile_overlayer_lowered;
	s6 =	simm.s32 $_tile_overlayer_lowered  }
0x9b: {  	s22 =	simm.s32 $0x1BFF;
	s21 =	sshll.u32 s6, $0x1;
	s3 =	sadd.s32 s4, s19  }
0x9c: {  	s7 =	simm.s32 $0x0;
	s20 =	sshll.u32 s5, $0x1;
	s5 =	sadd.s32 s21, s3  }
0x9d: {  	[timem:s7], [sflag:s22] =	dma.local [hbm:s5], s20  }
0x9e: {  	_ =	swait.ge [sflag:s22], s20  }
0x9f: {  	s4 =	ssub.s32 $0x0, s20;
	[sflag:s22] =	ssyncset.done $0x0  }
0xa0: {  	[sflag:s22] =	ssyncadd.s32 s4;
	_ =	sdelay $0x1  }
0xa1: {  	s23 =	simm.s32 $0x1B8B  }
0xa2: {  	_ =	swait.ge [sflag:s23], $0x1  }
0xa3: {  	[sflag:s23] =	ssyncset.done $0x0  }
0xa4: {  	s25 =	simm.s32 $0x1B8E;
	s24 =	sld [smem:$0x3FFE];
	[sflag:s23] =	ssyncadd.s32 $0xFFFFFFFF  }
0xa5: {  	s26 =	simm.s32 $execute0_lowered;
	[smem:$0x3FD2] =	sst s25  }
0xa6: {  	s5 =	sshll.u32 s26, $0x1;
	_ =	strace $0x80000046;
	[dreg:$0x1] =	wrdreg $0xFFFFFFFF  }
0xa7: {  	s28 =	simm.s32 $_size_execute0_lowered;
	s3 =	sadd.s32 s3, s5;
	[dreg:$0x0] =	wrdreg $0x0  }
0xa8: {  	s5 =	sshll.u32 s28, $0x1;
	[dreg:$0x2] =	wrdreg s3  }
0xa9: {  	[dreg:$0x3] =	wrdreg s5  }
0xaa: {  	[dreg:$0x4] =	wrdreg $0xC0  }
0xab: {  	_ =	task [dreg:s7], $0x5FFFF  }
0xac: {  	[dreg:$0x1] =	wrdreg $0xFFFFFFFF  }
0xad: {  	[dreg:$0x0] =	wrdreg $0x60  }
0xae: {  	[dreg:$0x2] =	wrdreg s24  }
0xaf: {  	[dreg:$0x3] =	wrdreg s2  }
0xb0: {  	[dreg:$0x4] =	wrdreg $0xAE000  }
0xb1: {  	[dreg:$0x5] =	wrdreg $0x9  }
0xb2: {  	_ =	task.clear_ibuf [dreg:s7], $0x6FFFF;
	_ =	strace $0x90000046  }
0xb3: {  	s29 =	simm.s32 $0x9;
	_ =	strace $0x80000048  }
0xb4: {  	_ =	swait.ge [sflag:s29], $0x1  }
0xb5: {  	[sflag:s29] =	ssyncadd.s32 $0xFFFFFFFF  }
0xb6: {  	_ =	strace $0x90000048  }
0xb7: {  	_ =	sfence  }
0xb8: {  	s30 =	sld [smem:$0x0];
	_ =	sdelay $0x2  }
0xb9: {  	s31 =	sshll.u32 s1, $0xD;
	s1 =	sshrl.u32 s1, $0x2  }
0xba: {  	s3 =	sand.u32 $0x4000, s31;
	s1 =	sadd.s32 s1, s30  }
0xbb: {  	s0 =	sor.u32 s3, s0;
	s1 =	sshll.u32 s1, $0x11  }
0xbc: {  	s0 =	sor.u32 s1, s0  }
0xbd: {  	s0 =	sadd.s32 $0x8F2B, s0  }
0xbe: {  	[sflag:s0] =	ssyncadd.remote.s32 $0x1  }
0xbf: {  	_ =	sfence.sel $0xFFFF  }
0xc0: {  	[dreg:$0x0] =	wrdreg $0xFFFFFFFF;
	(pc) =	sbr.abs _section_cstart, $3  }
0xc1: {  	[dreg:$0x1] =	wrdreg $0xFFFFFFFF  }
0xc2: {  	_ =	task.clear_ibuf [dreg:s7], $0x2FFFF;
	_ =	strace $0x9FFFFFFF  }
0xc3: {  	(tm) =	ssettm $0x7FFFFFFF  }
tec
execute0_lowered:
.L_overlay_start_1:
0x0: {  	(tag) =	ssettag $0x1  }
0x1: {  	s6 =	rddreg [dreg:$0x0]  }
0x2: {  	s8 =	rddreg [dreg:$0x1]  }
0x3: {  	s2 =	rddreg [dreg:$0x2]  }
0x4: {  	s0 =	rddreg [dreg:$0x3]  }
0x5: {  	s1 =	stileid.u32;
	s4 =	srdreg.scid;
	s3 =	simm.s32 $0x0  }
0x6: {  	s15 =	simm.s32 $0x9E00;
	s16 =	simm.s32 $0xA600;
	s17 =	simm.s32 $0x1  }
0x7: {  	s18 =	simm.s32 $0x3;
	s19 =	simm.s32 $0x2;
	s20 =	simm.s32 $0x4  }
0x8: {  	s21 =	simm.s32 $0x9D00;
	s22 =	simm.s32 $0x9D80;
	s7 =	smul.u32 $0x4F00, s1  }
0x9: {  	s23 =	simm.s32 $0x0;
	s5 =	sand.u32 $0x1, s4;
	s9 =	smul.u32 $0x1400, s1  }
0xa: {  	[smem:$0x7FF] =	sst s3;
	s4 =	sadd.s32 $0xC800, s6;
	s30 =	sshll.u32 s1, $0x6  }
0xb: {  	s11 =	smul.u32 $0x14000, s5;
	_ =	strace $0x80000047;
	s12 =	ssub.s32 $0x2, s5  }
0xc: {  	s13 =	smul.u32 $0x4F000, s5;
	s5 =	sadd.s32 $0x11800, s6;
	s10 =	sshrl.u32 s7, $0x3  }
0xd: {  	s14 =	sshrl.u32 s12, $0x1;
	s29 =	sadd.s32 s9, s2;
	s10 =	sadd.s32 s10, s6  }
0xe: {  	s11 =	sadd.s32 s9, s11;
	s12 =	ssub.s32 s12, s14;
	s28 =	sadd.s32 s7, s13  }
0xf: {  	s13 =	simm.s32 $0x4F00;
	s14 =	simm.s32 $0x80;
	s11 =	sshrl.u32 s11, $0x3  }
0x10: {  	s31 =	sshrl.u32 s28, $0x3;
	s7 =	sadd.s32 $0x2A00, s10;
	s10 =	smax.u32 s12, $0x1  }
0x11: {  	s12 =	simm.s32 $0x5;
	s11 =	sadd.s32 s11, s6;
	s6 =	sor.u32 $0x1C05, s30  }
0x12: {  	s8 =	sadd.s32 s8, s31;
	s9 =	sadd.s32 $0x11C00, s11;
	s11 =	sshrl.u32 s29, $0x3  }
.LBB2_1:
0x13: {  	[spmem:s11], [sflag:s6] =	dma.local [hbm:s5], $0x280  }
0x14: {  	_ =	swait.ge [sflag:s12], $0x280  }
0x15: {  	[sflag:s12] =	ssyncset.done $0x0  }
0x16: {  	[sflag:s12] =	ssyncadd.s32 $0xFFFFFD80  }
0x17: {  	[tilespmem:s3], [sflag:$0x5] =	stream.linear.gather [hbm4b:s7+s3], $0x4F00, $0x38;
	[tilespmem:$0xC208] =	vst v63  }
0x18: {  	_ =	swait.ge [sflag:s12], $0x4F00  }
0x19: {  	[sflag:s12] =	ssyncset.done $0x0  }
0x1a: {  	[sflag:s12] =	ssyncadd.s32 $0xFFFFB100  }
0x1b: {  	[tilespmem:s13], [sflag:$0x5] =	stream.linear.gather [hbm4b:s8+s3], $0x4F00, $0x38;
	[tilespmem:$0xC208] =	vst v63  }
0x1c: {  	_ =	swait.ge [sflag:s12], $0x4F00  }
0x1d: {  	[sflag:s12] =	ssyncset.done $0x0  }
0x1e: {  	[sflag:s12] =	ssyncadd.s32 $0xFFFFB100  }
0x1f: {  	[bflag:$0x0] =	sbarrier.arrive $0xFFFF  }
0x20: {  	[tilespmem:s15], [sflag:$0x1] =	stream.indirect.gather [hbm4b:s4+s14], $0x10, s3, s14, $0xb8;
	[tilespmem:$0xC208] =	vst v63  }
0x21: {  	_ = 	snop  }
0x22: {  	[tilespmem:s16], [sflag:$0x2] =	stream.indirect.gather [hbm4b:s4+s14], $0x10, s14, s14, $0xb8;
	[tilespmem:$0xC208] =	vst v63  }
0x23: {  	_ =	swait.ge [sflag:s17], $0x800  }
0x24: {  	[sflag:s17] =	ssyncset.done $0x0  }
0x25: {  	s24 =	simm.s32 $0x4F00;
	[sflag:s17] =	ssyncadd.s32 $0xFFFFF800  }
0x26: {  	[spmem:s2] =	stream.indirect.scatter.add.f32 [tilespmem:s15], [sflag:$0x3], $0x10, s24, s14, $0xb8;
	[tilespmem:$0xC208] =	vst v63  }
0x27: {  	_ =	swait.ge [sflag:s18], $0x800  }
0x28: {  	[sflag:s18] =	ssyncset.done $0x0  }
0x29: {  	s30 =	simm.s32 $0x100;
	[sflag:s18] =	ssyncadd.s32 $0xFFFFF800  }
0x2a: {  	[tilespmem:s15], [sflag:$0x1] =	stream.indirect.gather [hbm4b:s4+s14], $0x10, s30, s14, $0xb8;
	[tilespmem:$0xC208] =	vst v63  }
0x2b: {  	_ =	swait.ge [sflag:s19], $0x800  }
0x2c: {  	[sflag:s19] =	ssyncset.done $0x0  }
0x2d: {  	s31 =	simm.s32 $0x4F80;
	[sflag:s19] =	ssyncadd.s32 $0xFFFFF800  }
0x2e: {  	[spmem:s2] =	stream.indirect.scatter.add.f32 [tilespmem:s16], [sflag:$0x4], $0x10, s31, s14, $0xb8;
	[tilespmem:$0xC208] =	vst v63  }
0x2f: {  	_ =	swait.ge [sflag:s20], $0x800  }
0x30: {  	[sflag:s20] =	ssyncset.done $0x0  }
0x31: {  	s25 =	simm.s32 $0x180;
	s24 =	simm.s32 $0x400;
	[sflag:s20] =	ssyncadd.s32 $0xFFFFF800  }
.LBB2_2:
0x32: {  	[tilespmem:s16], [sflag:$0x2] =	stream.indirect.gather [hbm4b:s4+s14], $0x10, s25, s14, $0xb8;
	[tilespmem:$0xC208] =	vst v63  }
0x33: {  	s25 =	smov.u32 s24  }
0x34: {  	p0 =	sne.s32 s24, $0x13400;
	s24 =	sadd.s32 $0x400, s24;
	_ =	swait.ge [sflag:s17], $0x800  }
0x35: {  	s25 =	sshra.s32 s25, $0x2;
	[sflag:s17] =	ssyncset.done $0x0  }
0x36: {  	s26 =	sadd.s32 $0x4F00, s25;
	[sflag:s17] =	ssyncadd.s32 $0xFFFFF800  }
0x37: {  	[spmem:s2] =	stream.indirect.scatter.add.f32 [tilespmem:s15], [sflag:$0x3], $0x10, s26, s14, $0xb8;
	[tilespmem:$0xC208] =	vst v63  }
0x38: {  	_ =	swait.ge [sflag:s18], $0x800  }
0x39: {  	[sflag:s18] =	ssyncset.done $0x0  }
0x3a: {  	s26 =	sadd.s32 $0x100, s25;
	[sflag:s18] =	ssyncadd.s32 $0xFFFFF800  }
0x3b: {  	[tilespmem:s15], [sflag:$0x1] =	stream.indirect.gather [hbm4b:s4+s14], $0x10, s26, s14, $0xb8;
	[tilespmem:$0xC208] =	vst v63  }
0x3c: {  	_ =	swait.ge [sflag:s19], $0x800  }
0x3d: {  	[sflag:s19] =	ssyncset.done $0x0  }
.Ltmp0:
0x3e: {  	s26 =	sadd.s32 $0x4F80, s25;
	[sflag:s19] =	ssyncadd.s32 $0xFFFFF800;
	(pc) =	sbr.rel @p0 .LBB2_2-.Ltmp0, $4  }
0x3f: {  	[spmem:s2] =	stream.indirect.scatter.add.f32 [tilespmem:s16], [sflag:$0x4], $0x10, s26, s14, $0xb8;
	[tilespmem:$0xC208] =	vst v63  }
0x40: {  	_ =	swait.ge [sflag:s20], $0x800  }
0x41: {  	[sflag:s20] =	ssyncset.done $0x0  }
0x42: {  	s25 =	sadd.s32 $0x180, s25;
	[sflag:s20] =	ssyncadd.s32 $0xFFFFF800  }
0x43: {  	[tilespmem:s16], [sflag:$0x2] =	stream.indirect.gather [hbm4b:s4+s14], $0x10, s25, s14, $0xb8;
	[tilespmem:$0xC208] =	vst v63  }
0x44: {  	_ =	swait.ge [sflag:s17], $0x800  }
0x45: {  	[sflag:s17] =	ssyncset.done $0x0  }
0x46: {  	[sflag:s17] =	ssyncadd.s32 $0xFFFFF800  }
0x47: {  	[spmem:s2] =	stream.indirect.scatter.add.f32 [tilespmem:s15], [sflag:$0x5], $0x10, s21, s14, $0xb8;
	[tilespmem:$0xC208] =	vst v63  }
0x48: {  	_ =	swait.ge [sflag:s12], $0x800  }
0x49: {  	[sflag:s12] =	ssyncset.done $0x0  }
0x4a: {  	[sflag:s12] =	ssyncadd.s32 $0xFFFFF800  }
0x4b: {  	_ =	swait.ge [sflag:s19], $0x800  }
0x4c: {  	[sflag:s19] =	ssyncset.done $0x0  }
0x4d: {  	[sflag:s19] =	ssyncadd.s32 $0xFFFFF800  }
0x4e: {  	[spmem:s2] =	stream.indirect.scatter.add.f32 [tilespmem:s16], [sflag:$0x5], $0x10, s22, s14, $0xb8;
	[tilespmem:$0xC208] =	vst v63  }
0x4f: {  	_ =	swait.ge [sflag:s12], $0x800  }
0x50: {  	s23 =	sadd.s32 $0x1, s23;
	[sflag:s12] =	ssyncset.done $0x0  }
0x51: {  	p0 =	sne.s32 s23, s10;
	[sflag:s12] =	ssyncadd.s32 $0xFFFFF800  }
.Ltmp1:
0x52: {  	[bflag:$0x0] =	sbarrier.arrive $0xFFFF;
	(pc) =	sbr.rel @p0 .LBB2_1-.Ltmp1, $4  }
0x53: {  	[hbm:s9], [sflag:s6] =	dma.local [spmem:s11], $0x280  }
0x54: {  	_ =	swait.ge [sflag:s12], $0x280  }
0x55: {  	[sflag:s12] =	ssyncset.done $0x0  }
0x56: {  	[sflag:s12] =	ssyncadd.s32 $0xFFFFFD80  }
0x57: {  	_ =	sfence.sel $0x180000  }
0x58: {  	[bflag:$0x0] =	sbarrier.arrive $0xFFFF  }
0x59: {  	p0 =	sne.s32 s1, $0x0;
	_ =	strace $0x90000047  }
0x5a: {  	s0 =	sadd.s32 @!p0 $0x100000, s0;
	[bflag:$0x2] =	sbarrier.arrive $0xFFFF  }
0x5b: {  	[sflag:s0] =	ssyncadd.tile.s32 @!p0 $0x1;
	_ =	shalt  }
.Lfunc_end2:
_tile_overlayer_lowered:
.L_overlay_start_2:
0x5c: {  	(tag) =	ssettag $0x2  }
0x5d: {  	s0 =	rddreg [dreg:$0x0];
	s2 =	stileid.u32  }
0x5e: {  	s1 =	rddreg [dreg:$0x1];
	p0 =	sne.s32 s2, $0x0  }
0x5f: {  	s3 =	rddreg [dreg:$0x2];
	[bflag:$0x3] =	sbarrier.arrive $0xFFFF;
	s2 =	simm.s32 @!p0 $0x1C05  }
0x60: {  	[timem:s3], [sflag:s2] =	dma.local @!p0 [hbm:s0], s1  }
0x61: {  	s0 =	simm.s32 @!p0 $0x5  }
0x62: {  	_ =	swait.ge @!p0 [sflag:s0], s1  }
0x63: {  	s1 =	ssub.s32 @!p0 $0x0, s1;
	[sflag:s0] =	ssyncset.done @!p0 $0x0  }
0x64: {  	[sflag:s0] =	ssyncadd.s32 @!p0 s1  }
0x65: {  	[bflag:$0x3] =	sbarrier.arrive $0xFFFF  }
0x66: {  	_ =	shalt  }

</sc_bundles>
